<compile_context>
chip_gen: v7x
topology: tpu7x:2x2x1
jax: 0.10.2.dev20260603
libtpu: 0.0.44.dev20260713+nightly
codegen_flags: <defaults>
</compile_context>

<pallas_src>
import functools

import jax
import jax.numpy as jnp
from jax.experimental import pallas as pl
from jax.experimental.pallas import tpu as pltpu
from jax.experimental.pallas import tpu_sc as plsc


def _coords(c, n):
    g = 2.0 * c - 1.0
    v = ((g + 1.0) * n - 1.0) / 2.0
    v0 = jnp.floor(v)
    v1 = v0 + 1.0
    w1 = v - v0
    w0 = 1.0 - w1
    return v0, v1, w0, w1


def _b1_body(outf_ref, og_ref, cov_ref, pts_ref, idx_ref):
    outf = outf_ref[0]
    og = og_ref[0]
    cov = cov_ref[0]

    m0 = jnp.maximum(outf[0:1], outf[1:2])
    m1 = jnp.minimum(outf[0:1], outf[1:2])

    x = og[:, 0:1]
    y = og[:, 1:2]
    x0, x1, wx0, wx1 = _coords(x, 32)
    y0, y1, wy0, wy1 = _coords(y, 32)
    iota = jax.lax.broadcasted_iota(jnp.int32, (96, 1024), 1)

    def gat(ix, iy, m):
        valid = (ix >= 0) & (ix < 32) & (iy >= 0) & (iy < 32)
        ixc = jnp.clip(ix, 0, 31).astype(jnp.int32)
        iyc = jnp.clip(iy, 0, 31).astype(jnp.int32)
        oh = ((iota == iyc * 32 + ixc) & valid).astype(jnp.float32)
        return jnp.sum(oh * m, axis=1, keepdims=True)

    def samp(m):
        return (gat(x0, y0, m) * (wx0 * wy0)
                + gat(x1, y0, m) * (wx1 * wy0)
                + gat(x0, y1, m) * (wx0 * wy1)
                + gat(x1, y1, m) * (wx1 * wy1))

    u_col = -1.0 * (samp(m0) - samp(m1))

    ii = jax.lax.broadcasted_iota(jnp.int32, (96, 96), 0)
    jj = jax.lax.broadcasted_iota(jnp.int32, (96, 96), 1)
    eye = ii == jj
    u_row = jnp.sum(jnp.where(eye, u_col, 0.0), axis=0, keepdims=True)
    beats = (u_row > u_col) | ((u_row == u_col) & (jj < ii))
    rank_col = jnp.sum(beats.astype(jnp.int32), axis=1, keepdims=True)
    rank_row = jnp.sum(jnp.where(eye, rank_col, 0), axis=0, keepdims=True)

    sel = (jax.lax.broadcasted_iota(jnp.int32, (24, 96), 0) == rank_row)
    selq = sel.astype(jnp.float32)
    x_row = jnp.sum(jnp.where(eye, x, 0.0), axis=0, keepdims=True)
    y_row = jnp.sum(jnp.where(eye, y, 0.0), axis=0, keepdims=True)
    imp_x = jnp.sum(selq * x_row, axis=1, keepdims=True)
    imp_y = jnp.sum(selq * y_row, axis=1, keepdims=True)
    imp = jnp.concatenate([imp_x, imp_y], axis=1)
    pts = jnp.concatenate([imp, cov], axis=0)
    pts_ref[0] = pts

    fx0, fx1, _, _ = _coords(pts[:, 0:1], 128)
    fy0, fy1, _, _ = _coords(pts[:, 1:2], 128)
    x0i = jnp.clip(fx0, 0, 127).astype(jnp.int32)
    x1i = jnp.clip(fx1, 0, 127).astype(jnp.int32)
    y0i = jnp.clip(fy0, 0, 127).astype(jnp.int32)
    y1i = jnp.clip(fy1, 0, 127).astype(jnp.int32)

    r = jax.lax.broadcasted_iota(jnp.int32, (1, 128), 1)
    p_of_r = r >> 2
    n_of_r = r & 3
    p32 = jax.lax.broadcasted_iota(jnp.int32, (32, 128), 0) == p_of_r

    def row128(col):
        return jnp.sum(jnp.where(p32, col, 0), axis=0, keepdims=True)

    ysel = jnp.where(n_of_r < 2, row128(y0i), row128(y1i))
    xsel = jnp.where((n_of_r & 1) == 0, row128(x0i), row128(x1i))
    rowval = ysel * 8 + (xsel >> 4)
    b = pl.program_id(0)
    cc = jax.lax.broadcasted_iota(jnp.int32, (512, 128), 0)
    idx_ref[0] = (cc + b * 512) * 1024 + rowval


def _make_sc_gather(rows):
    nw = 32
    per_w = rows // nw
    ch = per_w // 2
    mesh = plsc.VectorSubcoreMesh(core_axis_name="c", subcore_axis_name="s")

    @functools.partial(
        pl.kernel, mesh=mesh,
        compiler_params=pltpu.CompilerParams(use_tc_tiling_on_sc=False),
        out_type=jax.ShapeDtypeStruct((rows, 16), jnp.float32),
        scratch_types=[
            pltpu.VMEM((ch,), jnp.int32),
            pltpu.VMEM((ch, 16), jnp.float32),
            pltpu.SemaphoreType.DMA,
        ],
    )
    def sc_gather(table_hbm, idx_hbm, out_hbm, idx_v, rows_v, sem):
        wid = jax.lax.axis_index("s") * 2 + jax.lax.axis_index("c")
        for rr in range(2):
            base = wid * per_w + rr * ch
            pltpu.sync_copy(idx_hbm.at[pl.ds(base, ch)], idx_v)
            pltpu.async_copy(table_hbm.at[idx_v], rows_v, sem).wait()
            pltpu.sync_copy(rows_v, out_hbm.at[pl.ds(base, ch)])

    return sc_gather


def _b2_body(g_ref, pts_ref, outf_ref, wc_ref, wf_ref, bias_ref, rend_ref):
    G = g_ref[0]
    pts = pts_ref[0]
    outf = outf_ref[0]
    wc = wc_ref[...]
    wf = wf_ref[...]

    x = pts[:, 0:1]
    y = pts[:, 1:2]
    fx0, fx1, wx0, wx1 = _coords(x, 128)
    fy0, fy1, wy0, wy1 = _coords(y, 128)
    vx0 = ((fx0 >= 0) & (fx0 < 128)).astype(jnp.float32)
    vx1 = ((fx1 >= 0) & (fx1 < 128)).astype(jnp.float32)
    vy0 = ((fy0 >= 0) & (fy0 < 128)).astype(jnp.float32)
    vy1 = ((fy1 >= 0) & (fy1 < 128)).astype(jnp.float32)
    offx0 = jnp.clip(fx0, 0, 127).astype(jnp.int32) & 15
    offx1 = jnp.clip(fx1, 0, 127).astype(jnp.int32) & 15
    w00 = wx0 * wy0 * (vx0 * vy0)
    w10 = wx1 * wy0 * (vx1 * vy0)
    w01 = wx0 * wy1 * (vx0 * vy1)
    w11 = wx1 * wy1 * (vx1 * vy1)

    q = jax.lax.broadcasted_iota(jnp.int32, (1, 2048), 1)
    off_q = q & 15
    n_q = (q >> 4) & 3
    p_q = q >> 6
    p32 = jax.lax.broadcasted_iota(jnp.int32, (32, 2048), 0) == p_q

    def rowq_f(col):
        return jnp.sum(jnp.where(p32, col, 0.0), axis=0, keepdims=True)

    def rowq_i(col):
        return jnp.sum(jnp.where(p32, col, 0), axis=0, keepdims=True)

    offsel = jnp.where((n_q & 1) == 0, rowq_i(offx0), rowq_i(offx1))
    wsel = jnp.where(n_q == 0, rowq_f(w00),
                     jnp.where(n_q == 1, rowq_f(w10),
                               jnp.where(n_q == 2, rowq_f(w01), rowq_f(w11))))
    msk = (off_q == offsel).astype(jnp.float32) * wsel

    contrib = G * msk
    A = jnp.dot(wf, contrib, preferred_element_type=jnp.float32)
    grp = ((jax.lax.broadcasted_iota(jnp.int32, (2048, 32), 0) >> 6)
           == jax.lax.broadcasted_iota(jnp.int32, (2048, 32), 1))
    rend_fine = jnp.dot(A, grp.astype(jnp.float32),
                        preferred_element_type=jnp.float32)

    projout = wc[:, 0:1] * outf[0:1] + wc[:, 1:2] * outf[1:2]
    eye32 = (jax.lax.broadcasted_iota(jnp.int32, (32, 32), 0)
             == jax.lax.broadcasted_iota(jnp.int32, (32, 32), 1))
    x_row = jnp.sum(jnp.where(eye32, x, 0.0), axis=0, keepdims=True)
    y_row = jnp.sum(jnp.where(eye32, y, 0.0), axis=0, keepdims=True)
    cx0, cx1, cwx0, cwx1 = _coords(x_row, 32)
    cy0, cy1, cwy0, cwy1 = _coords(y_row, 32)
    iota = jax.lax.broadcasted_iota(jnp.int32, (1024, 32), 0)

    def gatc(ix, iy):
        valid = (ix >= 0) & (ix < 32) & (iy >= 0) & (iy < 32)
        ixc = jnp.clip(ix, 0, 31).astype(jnp.int32)
        iyc = jnp.clip(iy, 0, 31).astype(jnp.int32)
        oh = ((iota == iyc * 32 + ixc) & valid).astype(jnp.float32)
        return jnp.dot(projout, oh, preferred_element_type=jnp.float32)

    coarse = (gatc(cx0, cy0) * (cwx0 * cwy0)
              + gatc(cx1, cy0) * (cwx1 * cwy0)
              + gatc(cx0, cy1) * (cwx0 * cwy1)
              + gatc(cx1, cy1) * (cwx1 * cwy1))

    rend_ref[0] = coarse + rend_fine + bias_ref[...]


def kernel(x, res2, out, W, b):
    B, Cr, Hr, Wr = res2.shape
    N = x.shape[-1] // 16
    kN = 3 * N
    bN = int(0.75 * N)

    key = jax.random.key(42)
    k1, k2 = jax.random.split(key)
    over_gen = jax.random.uniform(k1, (B, kN, 2), dtype=out.dtype)
    coverage = jax.random.uniform(k2, (B, N - bN, 2), dtype=out.dtype)

    outf = out.reshape(B, 2, 32 * 32)
    wf = W[:, 2:]
    wc = W[:, :2]
    bias = b.reshape(2, 1)

    pts, idx = pl.pallas_call(
        _b1_body,
        grid=(B,),
        in_specs=[
            pl.BlockSpec((1, 2, 1024), lambda bb: (bb, 0, 0)),
            pl.BlockSpec((1, kN, 2), lambda bb: (bb, 0, 0)),
            pl.BlockSpec((1, N - bN, 2), lambda bb: (bb, 0, 0)),
        ],
        out_specs=[
            pl.BlockSpec((1, N, 2), lambda bb: (bb, 0, 0)),
            pl.BlockSpec((1, Cr, 4 * N), lambda bb: (bb, 0, 0)),
        ],
        out_shape=[
            jax.ShapeDtypeStruct((B, N, 2), jnp.float32),
            jax.ShapeDtypeStruct((B, Cr, 4 * N), jnp.int32),
        ],
    )(outf, over_gen, coverage)

    rows = B * Cr * 4 * N
    G = _make_sc_gather(rows)(res2.reshape(B * Cr * Hr * Wr // 16, 16),
                              idx.reshape(rows))

    rend = pl.pallas_call(
        _b2_body,
        grid=(B,),
        in_specs=[
            pl.BlockSpec((1, Cr, 4 * N * 16), lambda bb: (bb, 0, 0)),
            pl.BlockSpec((1, N, 2), lambda bb: (bb, 0, 0)),
            pl.BlockSpec((1, 2, 1024), lambda bb: (bb, 0, 0)),
            pl.BlockSpec((2, 2), lambda bb: (0, 0)),
            pl.BlockSpec((2, Cr), lambda bb: (0, 0)),
            pl.BlockSpec((2, 1), lambda bb: (0, 0)),
        ],
        out_specs=pl.BlockSpec((1, 2, N), lambda bb: (bb, 0, 0)),
        out_shape=jax.ShapeDtypeStruct((B, 2, N), jnp.float32),
    )(G.reshape(B, Cr, 4 * N * 16), pts, outf, wc, wf, bias)

    return (rend, pts)

# --- scband reference (transcript-rebuilt; emitter-appended) ---
"""Pipeline reference for scband-point-head-4449586119474 (READ-ONLY COPY).

The authoritative reference and input builder live on the scoring server;
editing this copy changes nothing except your own understanding.
"""

import jax, jax.numpy as jnp
import numpy as np


def bilinear_sample(inp, coords):
    # inp: (B, C, H, W); coords: (B, P, 2) in [0,1], (x, y) order like torch grid_sample.
    # Equivalent to F.grid_sample(inp, 2*coords-1, align_corners=False, padding_mode='zeros').
    B, C, H, W = inp.shape
    gx = 2.0 * coords[..., 0] - 1.0
    gy = 2.0 * coords[..., 1] - 1.0
    x = ((gx + 1.0) * W - 1.0) / 2.0
    y = ((gy + 1.0) * H - 1.0) / 2.0
    x0 = jnp.floor(x); y0 = jnp.floor(y)
    x1 = x0 + 1.0; y1 = y0 + 1.0
    wx1 = x - x0; wx0 = 1.0 - wx1
    wy1 = y - y0; wy0 = 1.0 - wy1
    flat = inp.reshape(B, C, H * W)

    def gather(ix, iy):
        valid = ((ix >= 0) & (ix < W) & (iy >= 0) & (iy < H)).astype(inp.dtype)
        ixc = jnp.clip(ix, 0, W - 1).astype(jnp.int32)
        iyc = jnp.clip(iy, 0, H - 1).astype(jnp.int32)
        idx = iyc * W + ixc  # (B, P)
        vals = jnp.take_along_axis(flat, idx[:, None, :], axis=2)  # (B, C, P)
        return vals * valid[:, None, :]

    out = (gather(x0, y0) * (wx0 * wy0)[:, None, :]
           + gather(x1, y0) * (wx1 * wy0)[:, None, :]
           + gather(x0, y1) * (wx0 * wy1)[:, None, :]
           + gather(x1, y1) * (wx1 * wy1)[:, None, :])
    return out


def sampling_points(mask, N, k, beta, key):
    # Training-mode point selection (torch.no_grad in original).
    B, C, H, W = mask.shape
    mask_sorted = -jnp.sort(-mask, axis=1)  # sort channels descending
    kN = k * N
    bN = int(beta * N)
    k1, k2 = jax.random.split(key)
    over_gen = jax.random.uniform(k1, (B, kN, 2), dtype=mask.dtype)
    og_map = bilinear_sample(mask_sorted, over_gen)  # (B, C, kN)
    uncertainty = -1.0 * (og_map[:, 0] - og_map[:, 1])  # (B, kN)
    _, idx = jax.lax.top_k(uncertainty, bN)  # (B, bN)
    importance = jnp.take_along_axis(over_gen, idx[:, :, None], axis=1)  # (B, bN, 2)
    coverage = jax.random.uniform(k2, (B, N - bN, 2), dtype=mask.dtype)
    return jnp.concatenate([importance, coverage], axis=1)  # (B, N, 2)


def setup_inputs(seed: int = 0) -> dict:
    key = jax.random.key(seed)
    k1, k2, k3, k4 = jax.random.split(key, 4)
    B = 4
    x = jax.random.normal(k1, (B, 3, 512, 512), dtype=jnp.float32)
    res2 = jax.random.normal(k2, (B, 512, 128, 128), dtype=jnp.float32)
    out = jax.random.normal(k3, (B, 2, 32, 32), dtype=jnp.float32)
    # Conv1d(in_c=514, num_classes=2, kernel_size=1) parameters
    W = jax.random.normal(k4, (2, 514), dtype=jnp.float32) * 0.02
    b = jnp.zeros((2,), dtype=jnp.float32)
    return {"x": x, "res2": res2, "out": out, "W": W, "b": b}


def reference(x, res2, out, W, b):
    N = x.shape[-1] // 16  # 512 // 16 = 32 sampled points
    points = jax.lax.stop_gradient(
        sampling_points(out, N, 3, 0.75, jax.random.key(42)))  # (B, N, 2)
    coarse = bilinear_sample(out, points)   # (B, 2, N)
    fine = bilinear_sample(res2, points)    # (B, 512, N)
    feat = jnp.concatenate([coarse, fine], axis=1)  # (B, 514, N)
    rend = jnp.einsum('oc,bcn->bon', W, feat) + b[None, :, None]  # (B, 2, N)
    return (rend, points)

if __name__ == "__main__":
    import jax
    _d = setup_inputs()
    print(jax.jit(kernel)(*tuple(_d.values())))

</pallas_src>

<mosaic_0001>
#map = affine_map<(d0, d1) -> (0, 0)>
#map1 = affine_map<(d0, d1) -> (0)>
module attributes {stable_mosaic.version = 14 : i64} {
  func.func @sc_gather(%arg0: i32, %arg1: i32, %arg2: memref<2097152x16xf32, #tpu.memory_space<hbm>>, %arg3: memref<262144xi32, #tpu.memory_space<hbm>>, %arg4: memref<262144x16xf32, #tpu.memory_space<hbm>>, %arg5: memref<4096xi32, #tpu.memory_space<vmem>>, %arg6: memref<4096x16xf32, #tpu.memory_space<vmem>>, %arg7: memref<!tpu.dma_semaphore, #tpu.memory_space<semaphore_mem>>) attributes {dimension_semantics = [#tpu.dimension_semantics<core_parallel>, #tpu.dimension_semantics<subcore_parallel>], iteration_bounds = array<i64: 2, 16>, scalar_prefetch = 0 : i64, scratch_operands = 3 : i64, tpu.core_type = #tpu.core_type<sc_vector_subcore>, window_params = [{transform_indices = #map}, {transform_indices = #map1}, {transform_indices = #map}]} {
    %mul3A = arith.constant 2 : i32
    %mul3A_0 = arith.muli %arg1, %mul3A : i32
    %add3A = arith.addi %mul3A_0, %arg0 : i32
    %mul3A_1 = arith.constant 8192 : i32
    %mul3A_2 = arith.muli %add3A, %mul3A_1 : i32
    %add3A_3 = arith.constant 0 : i32
    %add3A_4 = arith.addi %mul3A_2, %add3A_3 : i32
    "tpu.region"() ({
      %run_scoped3A = tpu.sem_alloc : memref<!tpu.dma_semaphore, #tpu.memory_space<semaphore_mem>>
      %dma_start3A_19 = tpu.memref_slice %arg3[%add3A_4] : memref<262144xi32, #tpu.memory_space<hbm>> -> memref<4096xi32, #tpu.memory_space<hbm>>
      %dma_start3A_20 = tpu.memref_slice %arg3[%add3A_4] : memref<262144xi32, #tpu.memory_space<hbm>> -> memref<4096xi32, #tpu.memory_space<hbm>>
      tpu.enqueue_dma source(%dma_start3A_20 : memref<4096xi32, #tpu.memory_space<hbm>>) target(%arg5 : memref<4096xi32, #tpu.memory_space<vmem>>) target_semaphore(%run_scoped3A : memref<!tpu.dma_semaphore, #tpu.memory_space<semaphore_mem>>)
      %dma_wait3A_21 = tpu.memref_slice %arg3[%add3A_4] : memref<262144xi32, #tpu.memory_space<hbm>> -> memref<4096xi32, #tpu.memory_space<hbm>>
      %dma_wait3A_22 = tpu.memref_slice %arg3[%add3A_4] : memref<262144xi32, #tpu.memory_space<hbm>> -> memref<4096xi32, #tpu.memory_space<hbm>>
      tpu.wait_dma2 semaphore(%run_scoped3A : memref<!tpu.dma_semaphore, #tpu.memory_space<semaphore_mem>>) src(%dma_wait3A_22 : memref<4096xi32, #tpu.memory_space<hbm>>) dst(%arg5 : memref<4096xi32, #tpu.memory_space<vmem>>)
      tpu.yield
    }) : () -> ()
    %dma_start3A = arith.constant 0 : i32
    %dma_start3A_5 = arith.constant 0 : i32
    %dma_start3A_6 = tpu.memref_slice %arg2[%dma_start3A, %dma_start3A_5] : memref<2097152x16xf32, #tpu.memory_space<hbm>> -> memref<2097152x16xf32, #tpu.memory_space<hbm>>
    tpu.enqueue_indirect_dma source(%dma_start3A_6 : memref<2097152x16xf32, #tpu.memory_space<hbm>>) target(%arg6 : memref<4096x16xf32, #tpu.memory_space<vmem>>) offsets(%arg5 : memref<4096xi32, #tpu.memory_space<vmem>>) semaphore(%arg7 : memref<!tpu.dma_semaphore, #tpu.memory_space<semaphore_mem>>)
    %dma_wait3A = arith.constant 0 : i32
    %dma_wait3A_7 = arith.constant 0 : i32
    %dma_wait3A_8 = tpu.memref_slice %arg2[%dma_wait3A, %dma_wait3A_7] : memref<2097152x16xf32, #tpu.memory_space<hbm>> -> memref<2097152x16xf32, #tpu.memory_space<hbm>>
    tpu.wait_indirect_dma semaphore(%arg7 : memref<!tpu.dma_semaphore, #tpu.memory_space<semaphore_mem>>) src(%dma_wait3A_8 : memref<2097152x16xf32, #tpu.memory_space<hbm>>) dst(%arg6 : memref<4096x16xf32, #tpu.memory_space<vmem>>)
    "tpu.region"() ({
      %run_scoped3A = tpu.sem_alloc : memref<!tpu.dma_semaphore, #tpu.memory_space<semaphore_mem>>
      %dma_start3A_19 = arith.constant 0 : i32
      %dma_start3A_20 = tpu.memref_slice %arg4[%add3A_4, %dma_start3A_19] : memref<262144x16xf32, #tpu.memory_space<hbm>> -> memref<4096x16xf32, #tpu.memory_space<hbm>>
      %dma_start3A_21 = arith.constant 0 : i32
      %dma_start3A_22 = tpu.memref_slice %arg4[%add3A_4, %dma_start3A_21] : memref<262144x16xf32, #tpu.memory_space<hbm>> -> memref<4096x16xf32, #tpu.memory_space<hbm>>
      tpu.enqueue_dma source(%arg6 : memref<4096x16xf32, #tpu.memory_space<vmem>>) target(%dma_start3A_22 : memref<4096x16xf32, #tpu.memory_space<hbm>>) target_semaphore(%run_scoped3A : memref<!tpu.dma_semaphore, #tpu.memory_space<semaphore_mem>>)
      %dma_wait3A_23 = arith.constant 0 : i32
      %dma_wait3A_24 = tpu.memref_slice %arg4[%add3A_4, %dma_wait3A_23] : memref<262144x16xf32, #tpu.memory_space<hbm>> -> memref<4096x16xf32, #tpu.memory_space<hbm>>
      %dma_wait3A_25 = arith.constant 0 : i32
      %dma_wait3A_26 = tpu.memref_slice %arg4[%add3A_4, %dma_wait3A_25] : memref<262144x16xf32, #tpu.memory_space<hbm>> -> memref<4096x16xf32, #tpu.memory_space<hbm>>
      tpu.wait_dma2 semaphore(%run_scoped3A : memref<!tpu.dma_semaphore, #tpu.memory_space<semaphore_mem>>) src(%arg6 : memref<4096x16xf32, #tpu.memory_space<vmem>>) dst(%dma_wait3A_26 : memref<4096x16xf32, #tpu.memory_space<hbm>>)
      tpu.yield
    }) : () -> ()
    %mul3A_9 = arith.constant 8192 : i32
    %mul3A_10 = arith.muli %add3A, %mul3A_9 : i32
    %add3A_11 = arith.constant 4096 : i32
    %add3A_12 = arith.addi %mul3A_10, %add3A_11 : i32
    "tpu.region"() ({
      %run_scoped3A = tpu.sem_alloc : memref<!tpu.dma_semaphore, #tpu.memory_space<semaphore_mem>>
      %dma_start3A_19 = tpu.memref_slice %arg3[%add3A_12] : memref<262144xi32, #tpu.memory_space<hbm>> -> memref<4096xi32, #tpu.memory_space<hbm>>
      %dma_start3A_20 = tpu.memref_slice %arg3[%add3A_12] : memref<262144xi32, #tpu.memory_space<hbm>> -> memref<4096xi32, #tpu.memory_space<hbm>>
      tpu.enqueue_dma source(%dma_start3A_20 : memref<4096xi32, #tpu.memory_space<hbm>>) target(%arg5 : memref<4096xi32, #tpu.memory_space<vmem>>) target_semaphore(%run_scoped3A : memref<!tpu.dma_semaphore, #tpu.memory_space<semaphore_mem>>)
      %dma_wait3A_21 = tpu.memref_slice %arg3[%add3A_12] : memref<262144xi32, #tpu.memory_space<hbm>> -> memref<4096xi32, #tpu.memory_space<hbm>>
      %dma_wait3A_22 = tpu.memref_slice %arg3[%add3A_12] : memref<262144xi32, #tpu.memory_space<hbm>> -> memref<4096xi32, #tpu.memory_space<hbm>>
      tpu.wait_dma2 semaphore(%run_scoped3A : memref<!tpu.dma_semaphore, #tpu.memory_space<semaphore_mem>>) src(%dma_wait3A_22 : memref<4096xi32, #tpu.memory_space<hbm>>) dst(%arg5 : memref<4096xi32, #tpu.memory_space<vmem>>)
      tpu.yield
    }) : () -> ()
    %dma_start3A_13 = arith.constant 0 : i32
    %dma_start3A_14 = arith.constant 0 : i32
    %dma_start3A_15 = tpu.memref_slice %arg2[%dma_start3A_13, %dma_start3A_14] : memref<2097152x16xf32, #tpu.memory_space<hbm>> -> memref<2097152x16xf32, #tpu.memory_space<hbm>>
    tpu.enqueue_indirect_dma source(%dma_start3A_15 : memref<2097152x16xf32, #tpu.memory_space<hbm>>) target(%arg6 : memref<4096x16xf32, #tpu.memory_space<vmem>>) offsets(%arg5 : memref<4096xi32, #tpu.memory_space<vmem>>) semaphore(%arg7 : memref<!tpu.dma_semaphore, #tpu.memory_space<semaphore_mem>>)
    %dma_wait3A_16 = arith.constant 0 : i32
    %dma_wait3A_17 = arith.constant 0 : i32
    %dma_wait3A_18 = tpu.memref_slice %arg2[%dma_wait3A_16, %dma_wait3A_17] : memref<2097152x16xf32, #tpu.memory_space<hbm>> -> memref<2097152x16xf32, #tpu.memory_space<hbm>>
    tpu.wait_indirect_dma semaphore(%arg7 : memref<!tpu.dma_semaphore, #tpu.memory_space<semaphore_mem>>) src(%dma_wait3A_18 : memref<2097152x16xf32, #tpu.memory_space<hbm>>) dst(%arg6 : memref<4096x16xf32, #tpu.memory_space<vmem>>)
    "tpu.region"() ({
      %run_scoped3A = tpu.sem_alloc : memref<!tpu.dma_semaphore, #tpu.memory_space<semaphore_mem>>
      %dma_start3A_19 = arith.constant 0 : i32
      %dma_start3A_20 = tpu.memref_slice %arg4[%add3A_12, %dma_start3A_19] : memref<262144x16xf32, #tpu.memory_space<hbm>> -> memref<4096x16xf32, #tpu.memory_space<hbm>>
      %dma_start3A_21 = arith.constant 0 : i32
      %dma_start3A_22 = tpu.memref_slice %arg4[%add3A_12, %dma_start3A_21] : memref<262144x16xf32, #tpu.memory_space<hbm>> -> memref<4096x16xf32, #tpu.memory_space<hbm>>
      tpu.enqueue_dma source(%arg6 : memref<4096x16xf32, #tpu.memory_space<vmem>>) target(%dma_start3A_22 : memref<4096x16xf32, #tpu.memory_space<hbm>>) target_semaphore(%run_scoped3A : memref<!tpu.dma_semaphore, #tpu.memory_space<semaphore_mem>>)
      %dma_wait3A_23 = arith.constant 0 : i32
      %dma_wait3A_24 = tpu.memref_slice %arg4[%add3A_12, %dma_wait3A_23] : memref<262144x16xf32, #tpu.memory_space<hbm>> -> memref<4096x16xf32, #tpu.memory_space<hbm>>
      %dma_wait3A_25 = arith.constant 0 : i32
      %dma_wait3A_26 = tpu.memref_slice %arg4[%add3A_12, %dma_wait3A_25] : memref<262144x16xf32, #tpu.memory_space<hbm>> -> memref<4096x16xf32, #tpu.memory_space<hbm>>
      tpu.wait_dma2 semaphore(%run_scoped3A : memref<!tpu.dma_semaphore, #tpu.memory_space<semaphore_mem>>) src(%arg6 : memref<4096x16xf32, #tpu.memory_space<vmem>>) dst(%dma_wait3A_26 : memref<4096x16xf32, #tpu.memory_space<hbm>>)
      tpu.yield
    }) : () -> ()
    return
  }
}

module attributes {stable_mosaic.version = 14 : i64} {
  func.func @_b1_body(%arg0: i32, %arg1: memref<1x2x1024xf32, #tpu.memory_space<vmem>>, %arg2: memref<1x96x2xf32, #tpu.memory_space<vmem>>, %arg3: memref<1x8x2xf32, #tpu.memory_space<vmem>>, %arg4: memref<1x32x2xf32, #tpu.memory_space<vmem>>, %arg5: memref<1x512x128xi32, #tpu.memory_space<vmem>>) attributes {dimension_semantics = [#tpu.dimension_semantics<arbitrary>], iteration_bounds = array<i64: 4>, scalar_prefetch = 0 : i64, scratch_operands = 0 : i64, tpu.core_type = #tpu.core_type<tc>, window_params = [{transform_indices = @transform_0, window_bounds = array<i64: 1, 2, 1024>}, {transform_indices = @transform_1, window_bounds = array<i64: 1, 96, 2>}, {transform_indices = @transform_2, window_bounds = array<i64: 1, 8, 2>}, {transform_indices = @transform_3, window_bounds = array<i64: 1, 32, 2>}, {transform_indices = @transform_4, window_bounds = array<i64: 1, 512, 128>}]} {
    %get3A = arith.constant 0 : index
    %get3A_0 = arith.constant 0 : index
    %get3A_1 = arith.constant 0 : index
    %get3A_2 = vector.load %arg1[%get3A, %get3A_0, %get3A_1] : memref<1x2x1024xf32, #tpu.memory_space<vmem>>, vector<1x2x1024xf32>
    %get3A_3 = vector.shape_cast %get3A_2 : vector<1x2x1024xf32> to vector<2x1024xf32>
    %get3A_4 = arith.constant 0 : index
    %get3A_5 = arith.constant 0 : index
    %get3A_6 = arith.constant 0 : index
    %get3A_7 = vector.load %arg2[%get3A_4, %get3A_5, %get3A_6] : memref<1x96x2xf32, #tpu.memory_space<vmem>>, vector<1x96x2xf32>
    %get3A_8 = vector.shape_cast %get3A_7 : vector<1x96x2xf32> to vector<96x2xf32>
    %get3A_9 = arith.constant 0 : index
    %get3A_10 = arith.constant 0 : index
    %get3A_11 = arith.constant 0 : index
    %get3A_12 = vector.load %arg3[%get3A_9, %get3A_10, %get3A_11] : memref<1x8x2xf32, #tpu.memory_space<vmem>>, vector<1x8x2xf32>
    %get3A_13 = vector.shape_cast %get3A_12 : vector<1x8x2xf32> to vector<8x2xf32>
    %slice3A = vector.extract_strided_slice %get3A_3 {offsets = [0, 0], sizes = [1, 1024], strides = [1, 1]} : vector<2x1024xf32> to vector<1x1024xf32>
    %slice3A_14 = vector.extract_strided_slice %get3A_3 {offsets = [1, 0], sizes = [1, 1024], strides = [1, 1]} : vector<2x1024xf32> to vector<1x1024xf32>
    %max3A = arith.maximumf %slice3A, %slice3A_14 : vector<1x1024xf32>
    %slice3A_15 = vector.extract_strided_slice %get3A_3 {offsets = [0, 0], sizes = [1, 1024], strides = [1, 1]} : vector<2x1024xf32> to vector<1x1024xf32>
    %slice3A_16 = vector.extract_strided_slice %get3A_3 {offsets = [1, 0], sizes = [1, 1024], strides = [1, 1]} : vector<2x1024xf32> to vector<1x1024xf32>
    %min3A = arith.minimumf %slice3A_15, %slice3A_16 : vector<1x1024xf32>
    %slice3A_17 = vector.extract_strided_slice %get3A_8 {offsets = [0, 0], sizes = [96, 1], strides = [1, 1]} : vector<96x2xf32> to vector<96x1xf32>
    %slice3A_18 = vector.extract_strided_slice %get3A_8 {offsets = [0, 1], sizes = [96, 1], strides = [1, 1]} : vector<96x2xf32> to vector<96x1xf32>
    %mul3A = arith.constant 2.000000e+00 : f32
    %mul3A_19 = vector.broadcast %mul3A : f32 to vector<96x1xf32>
    %mul3A_20 = arith.mulf %mul3A_19, %slice3A_17 : vector<96x1xf32>
    %sub3A = arith.constant 1.000000e+00 : f32
    %sub3A_21 = vector.broadcast %sub3A : f32 to vector<96x1xf32>
    %sub3A_22 = arith.subf %mul3A_20, %sub3A_21 : vector<96x1xf32>
    %add3A = arith.constant 1.000000e+00 : f32
    %add3A_23 = vector.broadcast %add3A : f32 to vector<96x1xf32>
    %add3A_24 = arith.addf %sub3A_22, %add3A_23 : vector<96x1xf32>
    %mul3A_25 = arith.constant 3.200000e+01 : f32
    %mul3A_26 = vector.broadcast %mul3A_25 : f32 to vector<96x1xf32>
    %mul3A_27 = arith.mulf %add3A_24, %mul3A_26 : vector<96x1xf32>
    %sub3A_28 = arith.constant 1.000000e+00 : f32
    %sub3A_29 = vector.broadcast %sub3A_28 : f32 to vector<96x1xf32>
    %sub3A_30 = arith.subf %mul3A_27, %sub3A_29 : vector<96x1xf32>
    %div3A = arith.constant 2.000000e+00 : f32
    %div3A_31 = vector.broadcast %div3A : f32 to vector<96x1xf32>
    %div3A_32 = arith.divf %sub3A_30, %div3A_31 : vector<96x1xf32>
    %floor3A = math.floor %div3A_32 : vector<96x1xf32>
    %add3A_33 = arith.constant 1.000000e+00 : f32
    %add3A_34 = vector.broadcast %add3A_33 : f32 to vector<96x1xf32>
    %add3A_35 = arith.addf %floor3A, %add3A_34 : vector<96x1xf32>
    %sub3A_36 = arith.subf %div3A_32, %floor3A : vector<96x1xf32>
    %sub3A_37 = arith.constant 1.000000e+00 : f32
    %sub3A_38 = vector.broadcast %sub3A_37 : f32 to vector<96x1xf32>
    %sub3A_39 = arith.subf %sub3A_38, %sub3A_36 : vector<96x1xf32>
    %mul3A_40 = arith.constant 2.000000e+00 : f32
    %mul3A_41 = vector.broadcast %mul3A_40 : f32 to vector<96x1xf32>
    %mul3A_42 = arith.mulf %mul3A_41, %slice3A_18 : vector<96x1xf32>
    %sub3A_43 = arith.constant 1.000000e+00 : f32
    %sub3A_44 = vector.broadcast %sub3A_43 : f32 to vector<96x1xf32>
    %sub3A_45 = arith.subf %mul3A_42, %sub3A_44 : vector<96x1xf32>
    %add3A_46 = arith.constant 1.000000e+00 : f32
    %add3A_47 = vector.broadcast %add3A_46 : f32 to vector<96x1xf32>
    %add3A_48 = arith.addf %sub3A_45, %add3A_47 : vector<96x1xf32>
    %mul3A_49 = arith.constant 3.200000e+01 : f32
    %mul3A_50 = vector.broadcast %mul3A_49 : f32 to vector<96x1xf32>
    %mul3A_51 = arith.mulf %add3A_48, %mul3A_50 : vector<96x1xf32>
    %sub3A_52 = arith.constant 1.000000e+00 : f32
    %sub3A_53 = vector.broadcast %sub3A_52 : f32 to vector<96x1xf32>
    %sub3A_54 = arith.subf %mul3A_51, %sub3A_53 : vector<96x1xf32>
    %div3A_55 = arith.constant 2.000000e+00 : f32
    %div3A_56 = vector.broadcast %div3A_55 : f32 to vector<96x1xf32>
    %div3A_57 = arith.divf %sub3A_54, %div3A_56 : vector<96x1xf32>
    %floor3A_58 = math.floor %div3A_57 : vector<96x1xf32>
    %add3A_59 = arith.constant 1.000000e+00 : f32
    %add3A_60 = vector.broadcast %add3A_59 : f32 to vector<96x1xf32>
    %add3A_61 = arith.addf %floor3A_58, %add3A_60 : vector<96x1xf32>
    %sub3A_62 = arith.subf %div3A_57, %floor3A_58 : vector<96x1xf32>
    %sub3A_63 = arith.constant 1.000000e+00 : f32
    %sub3A_64 = vector.broadcast %sub3A_63 : f32 to vector<96x1xf32>
    %sub3A_65 = arith.subf %sub3A_64, %sub3A_62 : vector<96x1xf32>
    %iota3A = tpu.iota {dimensions = array<i32: 1>} : vector<96x1024xi32>
    %ge3A = arith.constant 0.000000e+00 : f32
    %ge3A_66 = vector.broadcast %ge3A : f32 to vector<96x1xf32>
    %ge3A_67 = arith.cmpf oge, %floor3A, %ge3A_66 : vector<96x1xf32>
    %lt3A = arith.constant 3.200000e+01 : f32
    %lt3A_68 = vector.broadcast %lt3A : f32 to vector<96x1xf32>
    %lt3A_69 = arith.cmpf olt, %floor3A, %lt3A_68 : vector<96x1xf32>
    %and3A = arith.andi %ge3A_67, %lt3A_69 : vector<96x1xi1>
    %ge3A_70 = arith.constant 0.000000e+00 : f32
    %ge3A_71 = vector.broadcast %ge3A_70 : f32 to vector<96x1xf32>
    %ge3A_72 = arith.cmpf oge, %floor3A_58, %ge3A_71 : vector<96x1xf32>
    %and3A_73 = arith.andi %and3A, %ge3A_72 : vector<96x1xi1>
    %lt3A_74 = arith.constant 3.200000e+01 : f32
    %lt3A_75 = vector.broadcast %lt3A_74 : f32 to vector<96x1xf32>
    %lt3A_76 = arith.cmpf olt, %floor3A_58, %lt3A_75 : vector<96x1xf32>
    %and3A_77 = arith.andi %and3A_73, %lt3A_76 : vector<96x1xi1>
    %jit3A = arith.constant 0 : i32
    %jit3A_78 = arith.constant 31 : i32
    %convert_element_type3A = arith.sitofp %jit3A : i32 to f32
    %max3A_79 = vector.broadcast %convert_element_type3A : f32 to vector<96x1xf32>
    %max3A_80 = arith.maximumf %max3A_79, %floor3A : vector<96x1xf32>
    %convert_element_type3A_81 = arith.sitofp %jit3A_78 : i32 to f32
    %min3A_82 = vector.broadcast %convert_element_type3A_81 : f32 to vector<96x1xf32>
    %min3A_83 = arith.minimumf %min3A_82, %max3A_80 : vector<96x1xf32>
    %convert_element_type3A_84 = arith.fptosi %min3A_83 : vector<96x1xf32> to vector<96x1xi32>
    %jit3A_85 = arith.constant 0 : i32
    %jit3A_86 = arith.constant 31 : i32
    %convert_element_type3A_87 = arith.sitofp %jit3A_85 : i32 to f32
    %max3A_88 = vector.broadcast %convert_element_type3A_87 : f32 to vector<96x1xf32>
    %max3A_89 = arith.maximumf %max3A_88, %floor3A_58 : vector<96x1xf32>
    %convert_element_type3A_90 = arith.sitofp %jit3A_86 : i32 to f32
    %min3A_91 = vector.broadcast %convert_element_type3A_90 : f32 to vector<96x1xf32>
    %min3A_92 = arith.minimumf %min3A_91, %max3A_89 : vector<96x1xf32>
    %convert_element_type3A_93 = arith.fptosi %min3A_92 : vector<96x1xf32> to vector<96x1xi32>
    %mul3A_94 = arith.constant 32 : i32
    %mul3A_95 = vector.broadcast %mul3A_94 : i32 to vector<96x1xi32>
    %mul3A_96 = arith.muli %convert_element_type3A_93, %mul3A_95 : vector<96x1xi32>
    %add3A_97 = arith.addi %mul3A_96, %convert_element_type3A_84 : vector<96x1xi32>
    %eq3A = vector.broadcast %add3A_97 : vector<96x1xi32> to vector<96x1024xi32>
    %eq3A_98 = arith.cmpi eq, %iota3A, %eq3A : vector<96x1024xi32>
    %and3A_99 = vector.broadcast %and3A_77 : vector<96x1xi1> to vector<96x1024xi1>
    %and3A_100 = arith.andi %eq3A_98, %and3A_99 : vector<96x1024xi1>
    %convert_element_type3A_101 = arith.extui %and3A_100 : vector<96x1024xi1> to vector<96x1024xi32>
    %convert_element_type3A_102 = arith.sitofp %convert_element_type3A_101 : vector<96x1024xi32> to vector<96x1024xf32>
    %mul3A_103 = vector.broadcast %max3A : vector<1x1024xf32> to vector<96x1024xf32>
    %mul3A_104 = arith.mulf %convert_element_type3A_102, %mul3A_103 : vector<96x1024xf32>
    %reduce_sum3A = arith.constant dense<0.000000e+00> : vector<96xf32>
    %reduce_sum3A_105 = vector.multi_reduction <add>, %mul3A_104, %reduce_sum3A [1] : vector<96x1024xf32> to vector<96xf32>
    %broadcast_in_dim3A = vector.shape_cast %reduce_sum3A_105 : vector<96xf32> to vector<96x1xf32>
    %mul3A_106 = arith.mulf %sub3A_39, %sub3A_65 : vector<96x1xf32>
    %mul3A_107 = arith.mulf %broadcast_in_dim3A, %mul3A_106 : vector<96x1xf32>
    %ge3A_108 = arith.constant 0.000000e+00 : f32
    %ge3A_109 = vector.broadcast %ge3A_108 : f32 to vector<96x1xf32>
    %ge3A_110 = arith.cmpf oge, %add3A_35, %ge3A_109 : vector<96x1xf32>
    %lt3A_111 = arith.constant 3.200000e+01 : f32
    %lt3A_112 = vector.broadcast %lt3A_111 : f32 to vector<96x1xf32>
    %lt3A_113 = arith.cmpf olt, %add3A_35, %lt3A_112 : vector<96x1xf32>
    %and3A_114 = arith.andi %ge3A_110, %lt3A_113 : vector<96x1xi1>
    %ge3A_115 = arith.constant 0.000000e+00 : f32
    %ge3A_116 = vector.broadcast %ge3A_115 : f32 to vector<96x1xf32>
    %ge3A_117 = arith.cmpf oge, %floor3A_58, %ge3A_116 : vector<96x1xf32>
    %and3A_118 = arith.andi %and3A_114, %ge3A_117 : vector<96x1xi1>
    %lt3A_119 = arith.constant 3.200000e+01 : f32
    %lt3A_120 = vector.broadcast %lt3A_119 : f32 to vector<96x1xf32>
    %lt3A_121 = arith.cmpf olt, %floor3A_58, %lt3A_120 : vector<96x1xf32>
    %and3A_122 = arith.andi %and3A_118, %lt3A_121 : vector<96x1xi1>
    %jit3A_123 = arith.constant 0 : i32
    %jit3A_124 = arith.constant 31 : i32
    %convert_element_type3A_125 = arith.sitofp %jit3A_123 : i32 to f32
    %max3A_126 = vector.broadcast %convert_element_type3A_125 : f32 to vector<96x1xf32>
    %max3A_127 = arith.maximumf %max3A_126, %add3A_35 : vector<96x1xf32>
    %convert_element_type3A_128 = arith.sitofp %jit3A_124 : i32 to f32
    %min3A_129 = vector.broadcast %convert_element_type3A_128 : f32 to vector<96x1xf32>
    %min3A_130 = arith.minimumf %min3A_129, %max3A_127 : vector<96x1xf32>
    %convert_element_type3A_131 = arith.fptosi %min3A_130 : vector<96x1xf32> to vector<96x1xi32>
    %jit3A_132 = arith.constant 0 : i32
    %jit3A_133 = arith.constant 31 : i32
    %convert_element_type3A_134 = arith.sitofp %jit3A_132 : i32 to f32
    %max3A_135 = vector.broadcast %convert_element_type3A_134 : f32 to vector<96x1xf32>
    %max3A_136 = arith.maximumf %max3A_135, %floor3A_58 : vector<96x1xf32>
    %convert_element_type3A_137 = arith.sitofp %jit3A_133 : i32 to f32
    %min3A_138 = vector.broadcast %convert_element_type3A_137 : f32 to vector<96x1xf32>
    %min3A_139 = arith.minimumf %min3A_138, %max3A_136 : vector<96x1xf32>
    %convert_element_type3A_140 = arith.fptosi %min3A_139 : vector<96x1xf32> to vector<96x1xi32>
    %mul3A_141 = arith.constant 32 : i32
    %mul3A_142 = vector.broadcast %mul3A_141 : i32 to vector<96x1xi32>
    %mul3A_143 = arith.muli %convert_element_type3A_140, %mul3A_142 : vector<96x1xi32>
    %add3A_144 = arith.addi %mul3A_143, %convert_element_type3A_131 : vector<96x1xi32>
    %eq3A_145 = vector.broadcast %add3A_144 : vector<96x1xi32> to vector<96x1024xi32>
    %eq3A_146 = arith.cmpi eq, %iota3A, %eq3A_145 : vector<96x1024xi32>
    %and3A_147 = vector.broadcast %and3A_122 : vector<96x1xi1> to vector<96x1024xi1>
    %and3A_148 = arith.andi %eq3A_146, %and3A_147 : vector<96x1024xi1>
    %convert_element_type3A_149 = arith.extui %and3A_148 : vector<96x1024xi1> to vector<96x1024xi32>
    %convert_element_type3A_150 = arith.sitofp %convert_element_type3A_149 : vector<96x1024xi32> to vector<96x1024xf32>
    %mul3A_151 = vector.broadcast %max3A : vector<1x1024xf32> to vector<96x1024xf32>
    %mul3A_152 = arith.mulf %convert_element_type3A_150, %mul3A_151 : vector<96x1024xf32>
    %reduce_sum3A_153 = arith.constant dense<0.000000e+00> : vector<96xf32>
    %reduce_sum3A_154 = vector.multi_reduction <add>, %mul3A_152, %reduce_sum3A_153 [1] : vector<96x1024xf32> to vector<96xf32>
    %broadcast_in_dim3A_155 = vector.shape_cast %reduce_sum3A_154 : vector<96xf32> to vector<96x1xf32>
    %mul3A_156 = arith.mulf %sub3A_36, %sub3A_65 : vector<96x1xf32>
    %mul3A_157 = arith.mulf %broadcast_in_dim3A_155, %mul3A_156 : vector<96x1xf32>
    %add3A_158 = arith.addf %mul3A_107, %mul3A_157 : vector<96x1xf32>
    %ge3A_159 = arith.constant 0.000000e+00 : f32
    %ge3A_160 = vector.broadcast %ge3A_159 : f32 to vector<96x1xf32>
    %ge3A_161 = arith.cmpf oge, %floor3A, %ge3A_160 : vector<96x1xf32>
    %lt3A_162 = arith.constant 3.200000e+01 : f32
    %lt3A_163 = vector.broadcast %lt3A_162 : f32 to vector<96x1xf32>
    %lt3A_164 = arith.cmpf olt, %floor3A, %lt3A_163 : vector<96x1xf32>
    %and3A_165 = arith.andi %ge3A_161, %lt3A_164 : vector<96x1xi1>
    %ge3A_166 = arith.constant 0.000000e+00 : f32
    %ge3A_167 = vector.broadcast %ge3A_166 : f32 to vector<96x1xf32>
    %ge3A_168 = arith.cmpf oge, %add3A_61, %ge3A_167 : vector<96x1xf32>
    %and3A_169 = arith.andi %and3A_165, %ge3A_168 : vector<96x1xi1>
    %lt3A_170 = arith.constant 3.200000e+01 : f32
    %lt3A_171 = vector.broadcast %lt3A_170 : f32 to vector<96x1xf32>
    %lt3A_172 = arith.cmpf olt, %add3A_61, %lt3A_171 : vector<96x1xf32>
    %and3A_173 = arith.andi %and3A_169, %lt3A_172 : vector<96x1xi1>
    %jit3A_174 = arith.constant 0 : i32
    %jit3A_175 = arith.constant 31 : i32
    %convert_element_type3A_176 = arith.sitofp %jit3A_174 : i32 to f32
    %max3A_177 = vector.broadcast %convert_element_type3A_176 : f32 to vector<96x1xf32>
    %max3A_178 = arith.maximumf %max3A_177, %floor3A : vector<96x1xf32>
    %convert_element_type3A_179 = arith.sitofp %jit3A_175 : i32 to f32
    %min3A_180 = vector.broadcast %convert_element_type3A_179 : f32 to vector<96x1xf32>
    %min3A_181 = arith.minimumf %min3A_180, %max3A_178 : vector<96x1xf32>
    %convert_element_type3A_182 = arith.fptosi %min3A_181 : vector<96x1xf32> to vector<96x1xi32>
    %jit3A_183 = arith.constant 0 : i32
    %jit3A_184 = arith.constant 31 : i32
    %convert_element_type3A_185 = arith.sitofp %jit3A_183 : i32 to f32
    %max3A_186 = vector.broadcast %convert_element_type3A_185 : f32 to vector<96x1xf32>
    %max3A_187 = arith.maximumf %max3A_186, %add3A_61 : vector<96x1xf32>
    %convert_element_type3A_188 = arith.sitofp %jit3A_184 : i32 to f32
    %min3A_189 = vector.broadcast %convert_element_type3A_188 : f32 to vector<96x1xf32>
    %min3A_190 = arith.minimumf %min3A_189, %max3A_187 : vector<96x1xf32>
    %convert_element_type3A_191 = arith.fptosi %min3A_190 : vector<96x1xf32> to vector<96x1xi32>
    %mul3A_192 = arith.constant 32 : i32
    %mul3A_193 = vector.broadcast %mul3A_192 : i32 to vector<96x1xi32>
    %mul3A_194 = arith.muli %convert_element_type3A_191, %mul3A_193 : vector<96x1xi32>
    %add3A_195 = arith.addi %mul3A_194, %convert_element_type3A_182 : vector<96x1xi32>
    %eq3A_196 = vector.broadcast %add3A_195 : vector<96x1xi32> to vector<96x1024xi32>
    %eq3A_197 = arith.cmpi eq, %iota3A, %eq3A_196 : vector<96x1024xi32>
    %and3A_198 = vector.broadcast %and3A_173 : vector<96x1xi1> to vector<96x1024xi1>
    %and3A_199 = arith.andi %eq3A_197, %and3A_198 : vector<96x1024xi1>
    %convert_element_type3A_200 = arith.extui %and3A_199 : vector<96x1024xi1> to vector<96x1024xi32>
    %convert_element_type3A_201 = arith.sitofp %convert_element_type3A_200 : vector<96x1024xi32> to vector<96x1024xf32>
    %mul3A_202 = vector.broadcast %max3A : vector<1x1024xf32> to vector<96x1024xf32>
    %mul3A_203 = arith.mulf %convert_element_type3A_201, %mul3A_202 : vector<96x1024xf32>
    %reduce_sum3A_204 = arith.constant dense<0.000000e+00> : vector<96xf32>
    %reduce_sum3A_205 = vector.multi_reduction <add>, %mul3A_203, %reduce_sum3A_204 [1] : vector<96x1024xf32> to vector<96xf32>
    %broadcast_in_dim3A_206 = vector.shape_cast %reduce_sum3A_205 : vector<96xf32> to vector<96x1xf32>
    %mul3A_207 = arith.mulf %sub3A_39, %sub3A_62 : vector<96x1xf32>
    %mul3A_208 = arith.mulf %broadcast_in_dim3A_206, %mul3A_207 : vector<96x1xf32>
    %add3A_209 = arith.addf %add3A_158, %mul3A_208 : vector<96x1xf32>
    %ge3A_210 = arith.constant 0.000000e+00 : f32
    %ge3A_211 = vector.broadcast %ge3A_210 : f32 to vector<96x1xf32>
    %ge3A_212 = arith.cmpf oge, %add3A_35, %ge3A_211 : vector<96x1xf32>
    %lt3A_213 = arith.constant 3.200000e+01 : f32
    %lt3A_214 = vector.broadcast %lt3A_213 : f32 to vector<96x1xf32>
    %lt3A_215 = arith.cmpf olt, %add3A_35, %lt3A_214 : vector<96x1xf32>
    %and3A_216 = arith.andi %ge3A_212, %lt3A_215 : vector<96x1xi1>
    %ge3A_217 = arith.constant 0.000000e+00 : f32
    %ge3A_218 = vector.broadcast %ge3A_217 : f32 to vector<96x1xf32>
    %ge3A_219 = arith.cmpf oge, %add3A_61, %ge3A_218 : vector<96x1xf32>
    %and3A_220 = arith.andi %and3A_216, %ge3A_219 : vector<96x1xi1>
    %lt3A_221 = arith.constant 3.200000e+01 : f32
    %lt3A_222 = vector.broadcast %lt3A_221 : f32 to vector<96x1xf32>
    %lt3A_223 = arith.cmpf olt, %add3A_61, %lt3A_222 : vector<96x1xf32>
    %and3A_224 = arith.andi %and3A_220, %lt3A_223 : vector<96x1xi1>
    %jit3A_225 = arith.constant 0 : i32
    %jit3A_226 = arith.constant 31 : i32
    %convert_element_type3A_227 = arith.sitofp %jit3A_225 : i32 to f32
    %max3A_228 = vector.broadcast %convert_element_type3A_227 : f32 to vector<96x1xf32>
    %max3A_229 = arith.maximumf %max3A_228, %add3A_35 : vector<96x1xf32>
    %convert_element_type3A_230 = arith.sitofp %jit3A_226 : i32 to f32
    %min3A_231 = vector.broadcast %convert_element_type3A_230 : f32 to vector<96x1xf32>
    %min3A_232 = arith.minimumf %min3A_231, %max3A_229 : vector<96x1xf32>
    %convert_element_type3A_233 = arith.fptosi %min3A_232 : vector<96x1xf32> to vector<96x1xi32>
    %jit3A_234 = arith.constant 0 : i32
    %jit3A_235 = arith.constant 31 : i32
    %convert_element_type3A_236 = arith.sitofp %jit3A_234 : i32 to f32
    %max3A_237 = vector.broadcast %convert_element_type3A_236 : f32 to vector<96x1xf32>
    %max3A_238 = arith.maximumf %max3A_237, %add3A_61 : vector<96x1xf32>
    %convert_element_type3A_239 = arith.sitofp %jit3A_235 : i32 to f32
    %min3A_240 = vector.broadcast %convert_element_type3A_239 : f32 to vector<96x1xf32>
    %min3A_241 = arith.minimumf %min3A_240, %max3A_238 : vector<96x1xf32>
    %convert_element_type3A_242 = arith.fptosi %min3A_241 : vector<96x1xf32> to vector<96x1xi32>
    %mul3A_243 = arith.constant 32 : i32
    %mul3A_244 = vector.broadcast %mul3A_243 : i32 to vector<96x1xi32>
    %mul3A_245 = arith.muli %convert_element_type3A_242, %mul3A_244 : vector<96x1xi32>
    %add3A_246 = arith.addi %mul3A_245, %convert_element_type3A_233 : vector<96x1xi32>
    %eq3A_247 = vector.broadcast %add3A_246 : vector<96x1xi32> to vector<96x1024xi32>
    %eq3A_248 = arith.cmpi eq, %iota3A, %eq3A_247 : vector<96x1024xi32>
    %and3A_249 = vector.broadcast %and3A_224 : vector<96x1xi1> to vector<96x1024xi1>
    %and3A_250 = arith.andi %eq3A_248, %and3A_249 : vector<96x1024xi1>
    %convert_element_type3A_251 = arith.extui %and3A_250 : vector<96x1024xi1> to vector<96x1024xi32>
    %convert_element_type3A_252 = arith.sitofp %convert_element_type3A_251 : vector<96x1024xi32> to vector<96x1024xf32>
    %mul3A_253 = vector.broadcast %max3A : vector<1x1024xf32> to vector<96x1024xf32>
    %mul3A_254 = arith.mulf %convert_element_type3A_252, %mul3A_253 : vector<96x1024xf32>
    %reduce_sum3A_255 = arith.constant dense<0.000000e+00> : vector<96xf32>
    %reduce_sum3A_256 = vector.multi_reduction <add>, %mul3A_254, %reduce_sum3A_255 [1] : vector<96x1024xf32> to vector<96xf32>
    %broadcast_in_dim3A_257 = vector.shape_cast %reduce_sum3A_256 : vector<96xf32> to vector<96x1xf32>
    %mul3A_258 = arith.mulf %sub3A_36, %sub3A_62 : vector<96x1xf32>
    %mul3A_259 = arith.mulf %broadcast_in_dim3A_257, %mul3A_258 : vector<96x1xf32>
    %add3A_260 = arith.addf %add3A_209, %mul3A_259 : vector<96x1xf32>
    %ge3A_261 = arith.constant 0.000000e+00 : f32
    %ge3A_262 = vector.broadcast %ge3A_261 : f32 to vector<96x1xf32>
    %ge3A_263 = arith.cmpf oge, %floor3A, %ge3A_262 : vector<96x1xf32>
    %lt3A_264 = arith.constant 3.200000e+01 : f32
    %lt3A_265 = vector.broadcast %lt3A_264 : f32 to vector<96x1xf32>
    %lt3A_266 = arith.cmpf olt, %floor3A, %lt3A_265 : vector<96x1xf32>
    %and3A_267 = arith.andi %ge3A_263, %lt3A_266 : vector<96x1xi1>
    %ge3A_268 = arith.constant 0.000000e+00 : f32
    %ge3A_269 = vector.broadcast %ge3A_268 : f32 to vector<96x1xf32>
    %ge3A_270 = arith.cmpf oge, %floor3A_58, %ge3A_269 : vector<96x1xf32>
    %and3A_271 = arith.andi %and3A_267, %ge3A_270 : vector<96x1xi1>
    %lt3A_272 = arith.constant 3.200000e+01 : f32
    %lt3A_273 = vector.broadcast %lt3A_272 : f32 to vector<96x1xf32>
    %lt3A_274 = arith.cmpf olt, %floor3A_58, %lt3A_273 : vector<96x1xf32>
    %and3A_275 = arith.andi %and3A_271, %lt3A_274 : vector<96x1xi1>
    %jit3A_276 = arith.constant 0 : i32
    %jit3A_277 = arith.constant 31 : i32
    %convert_element_type3A_278 = arith.sitofp %jit3A_276 : i32 to f32
    %max3A_279 = vector.broadcast %convert_element_type3A_278 : f32 to vector<96x1xf32>
    %max3A_280 = arith.maximumf %max3A_279, %floor3A : vector<96x1xf32>
    %convert_element_type3A_281 = arith.sitofp %jit3A_277 : i32 to f32
    %min3A_282 = vector.broadcast %convert_element_type3A_281 : f32 to vector<96x1xf32>
    %min3A_283 = arith.minimumf %min3A_282, %max3A_280 : vector<96x1xf32>
    %convert_element_type3A_284 = arith.fptosi %min3A_283 : vector<96x1xf32> to vector<96x1xi32>
    %jit3A_285 = arith.constant 0 : i32
    %jit3A_286 = arith.constant 31 : i32
    %convert_element_type3A_287 = arith.sitofp %jit3A_285 : i32 to f32
    %max3A_288 = vector.broadcast %convert_element_type3A_287 : f32 to vector<96x1xf32>
    %max3A_289 = arith.maximumf %max3A_288, %floor3A_58 : vector<96x1xf32>
    %convert_element_type3A_290 = arith.sitofp %jit3A_286 : i32 to f32
    %min3A_291 = vector.broadcast %convert_element_type3A_290 : f32 to vector<96x1xf32>
    %min3A_292 = arith.minimumf %min3A_291, %max3A_289 : vector<96x1xf32>
    %convert_element_type3A_293 = arith.fptosi %min3A_292 : vector<96x1xf32> to vector<96x1xi32>
    %mul3A_294 = arith.constant 32 : i32
    %mul3A_295 = vector.broadcast %mul3A_294 : i32 to vector<96x1xi32>
    %mul3A_296 = arith.muli %convert_element_type3A_293, %mul3A_295 : vector<96x1xi32>
    %add3A_297 = arith.addi %mul3A_296, %convert_element_type3A_284 : vector<96x1xi32>
    %eq3A_298 = vector.broadcast %add3A_297 : vector<96x1xi32> to vector<96x1024xi32>
    %eq3A_299 = arith.cmpi eq, %iota3A, %eq3A_298 : vector<96x1024xi32>
    %and3A_300 = vector.broadcast %and3A_275 : vector<96x1xi1> to vector<96x1024xi1>
    %and3A_301 = arith.andi %eq3A_299, %and3A_300 : vector<96x1024xi1>
    %convert_element_type3A_302 = arith.extui %and3A_301 : vector<96x1024xi1> to vector<96x1024xi32>
    %convert_element_type3A_303 = arith.sitofp %convert_element_type3A_302 : vector<96x1024xi32> to vector<96x1024xf32>
    %mul3A_304 = vector.broadcast %min3A : vector<1x1024xf32> to vector<96x1024xf32>
    %mul3A_305 = arith.mulf %convert_element_type3A_303, %mul3A_304 : vector<96x1024xf32>
    %reduce_sum3A_306 = arith.constant dense<0.000000e+00> : vector<96xf32>
    %reduce_sum3A_307 = vector.multi_reduction <add>, %mul3A_305, %reduce_sum3A_306 [1] : vector<96x1024xf32> to vector<96xf32>
    %broadcast_in_dim3A_308 = vector.shape_cast %reduce_sum3A_307 : vector<96xf32> to vector<96x1xf32>
    %mul3A_309 = arith.mulf %sub3A_39, %sub3A_65 : vector<96x1xf32>
    %mul3A_310 = arith.mulf %broadcast_in_dim3A_308, %mul3A_309 : vector<96x1xf32>
    %ge3A_311 = arith.constant 0.000000e+00 : f32
    %ge3A_312 = vector.broadcast %ge3A_311 : f32 to vector<96x1xf32>
    %ge3A_313 = arith.cmpf oge, %add3A_35, %ge3A_312 : vector<96x1xf32>
    %lt3A_314 = arith.constant 3.200000e+01 : f32
    %lt3A_315 = vector.broadcast %lt3A_314 : f32 to vector<96x1xf32>
    %lt3A_316 = arith.cmpf olt, %add3A_35, %lt3A_315 : vector<96x1xf32>
    %and3A_317 = arith.andi %ge3A_313, %lt3A_316 : vector<96x1xi1>
    %ge3A_318 = arith.constant 0.000000e+00 : f32
    %ge3A_319 = vector.broadcast %ge3A_318 : f32 to vector<96x1xf32>
    %ge3A_320 = arith.cmpf oge, %floor3A_58, %ge3A_319 : vector<96x1xf32>
    %and3A_321 = arith.andi %and3A_317, %ge3A_320 : vector<96x1xi1>
    %lt3A_322 = arith.constant 3.200000e+01 : f32
    %lt3A_323 = vector.broadcast %lt3A_322 : f32 to vector<96x1xf32>
    %lt3A_324 = arith.cmpf olt, %floor3A_58, %lt3A_323 : vector<96x1xf32>
    %and3A_325 = arith.andi %and3A_321, %lt3A_324 : vector<96x1xi1>
    %jit3A_326 = arith.constant 0 : i32
    %jit3A_327 = arith.constant 31 : i32
    %convert_element_type3A_328 = arith.sitofp %jit3A_326 : i32 to f32
    %max3A_329 = vector.broadcast %convert_element_type3A_328 : f32 to vector<96x1xf32>
    %max3A_330 = arith.maximumf %max3A_329, %add3A_35 : vector<96x1xf32>
    %convert_element_type3A_331 = arith.sitofp %jit3A_327 : i32 to f32
    %min3A_332 = vector.broadcast %convert_element_type3A_331 : f32 to vector<96x1xf32>
    %min3A_333 = arith.minimumf %min3A_332, %max3A_330 : vector<96x1xf32>
    %convert_element_type3A_334 = arith.fptosi %min3A_333 : vector<96x1xf32> to vector<96x1xi32>
    %jit3A_335 = arith.constant 0 : i32
    %jit3A_336 = arith.constant 31 : i32
    %convert_element_type3A_337 = arith.sitofp %jit3A_335 : i32 to f32
    %max3A_338 = vector.broadcast %convert_element_type3A_337 : f32 to vector<96x1xf32>
    %max3A_339 = arith.maximumf %max3A_338, %floor3A_58 : vector<96x1xf32>
    %convert_element_type3A_340 = arith.sitofp %jit3A_336 : i32 to f32
    %min3A_341 = vector.broadcast %convert_element_type3A_340 : f32 to vector<96x1xf32>
    %min3A_342 = arith.minimumf %min3A_341, %max3A_339 : vector<96x1xf32>
    %convert_element_type3A_343 = arith.fptosi %min3A_342 : vector<96x1xf32> to vector<96x1xi32>
    %mul3A_344 = arith.constant 32 : i32
    %mul3A_345 = vector.broadcast %mul3A_344 : i32 to vector<96x1xi32>
    %mul3A_346 = arith.muli %convert_element_type3A_343, %mul3A_345 : vector<96x1xi32>
    %add3A_347 = arith.addi %mul3A_346, %convert_element_type3A_334 : vector<96x1xi32>
    %eq3A_348 = vector.broadcast %add3A_347 : vector<96x1xi32> to vector<96x1024xi32>
    %eq3A_349 = arith.cmpi eq, %iota3A, %eq3A_348 : vector<96x1024xi32>
    %and3A_350 = vector.broadcast %and3A_325 : vector<96x1xi1> to vector<96x1024xi1>
    %and3A_351 = arith.andi %eq3A_349, %and3A_350 : vector<96x1024xi1>
    %convert_element_type3A_352 = arith.extui %and3A_351 : vector<96x1024xi1> to vector<96x1024xi32>
    %convert_element_type3A_353 = arith.sitofp %convert_element_type3A_352 : vector<96x1024xi32> to vector<96x1024xf32>
    %mul3A_354 = vector.broadcast %min3A : vector<1x1024xf32> to vector<96x1024xf32>
    %mul3A_355 = arith.mulf %convert_element_type3A_353, %mul3A_354 : vector<96x1024xf32>
    %reduce_sum3A_356 = arith.constant dense<0.000000e+00> : vector<96xf32>
    %reduce_sum3A_357 = vector.multi_reduction <add>, %mul3A_355, %reduce_sum3A_356 [1] : vector<96x1024xf32> to vector<96xf32>
    %broadcast_in_dim3A_358 = vector.shape_cast %reduce_sum3A_357 : vector<96xf32> to vector<96x1xf32>
    %mul3A_359 = arith.mulf %sub3A_36, %sub3A_65 : vector<96x1xf32>
    %mul3A_360 = arith.mulf %broadcast_in_dim3A_358, %mul3A_359 : vector<96x1xf32>
    %add3A_361 = arith.addf %mul3A_310, %mul3A_360 : vector<96x1xf32>
    %ge3A_362 = arith.constant 0.000000e+00 : f32
    %ge3A_363 = vector.broadcast %ge3A_362 : f32 to vector<96x1xf32>
    %ge3A_364 = arith.cmpf oge, %floor3A, %ge3A_363 : vector<96x1xf32>
    %lt3A_365 = arith.constant 3.200000e+01 : f32
    %lt3A_366 = vector.broadcast %lt3A_365 : f32 to vector<96x1xf32>
    %lt3A_367 = arith.cmpf olt, %floor3A, %lt3A_366 : vector<96x1xf32>
    %and3A_368 = arith.andi %ge3A_364, %lt3A_367 : vector<96x1xi1>
    %ge3A_369 = arith.constant 0.000000e+00 : f32
    %ge3A_370 = vector.broadcast %ge3A_369 : f32 to vector<96x1xf32>
    %ge3A_371 = arith.cmpf oge, %add3A_61, %ge3A_370 : vector<96x1xf32>
    %and3A_372 = arith.andi %and3A_368, %ge3A_371 : vector<96x1xi1>
    %lt3A_373 = arith.constant 3.200000e+01 : f32
    %lt3A_374 = vector.broadcast %lt3A_373 : f32 to vector<96x1xf32>
    %lt3A_375 = arith.cmpf olt, %add3A_61, %lt3A_374 : vector<96x1xf32>
    %and3A_376 = arith.andi %and3A_372, %lt3A_375 : vector<96x1xi1>
    %jit3A_377 = arith.constant 0 : i32
    %jit3A_378 = arith.constant 31 : i32
    %convert_element_type3A_379 = arith.sitofp %jit3A_377 : i32 to f32
    %max3A_380 = vector.broadcast %convert_element_type3A_379 : f32 to vector<96x1xf32>
    %max3A_381 = arith.maximumf %max3A_380, %floor3A : vector<96x1xf32>
    %convert_element_type3A_382 = arith.sitofp %jit3A_378 : i32 to f32
    %min3A_383 = vector.broadcast %convert_element_type3A_382 : f32 to vector<96x1xf32>
    %min3A_384 = arith.minimumf %min3A_383, %max3A_381 : vector<96x1xf32>
    %convert_element_type3A_385 = arith.fptosi %min3A_384 : vector<96x1xf32> to vector<96x1xi32>
    %jit3A_386 = arith.constant 0 : i32
    %jit3A_387 = arith.constant 31 : i32
    %convert_element_type3A_388 = arith.sitofp %jit3A_386 : i32 to f32
    %max3A_389 = vector.broadcast %convert_element_type3A_388 : f32 to vector<96x1xf32>
    %max3A_390 = arith.maximumf %max3A_389, %add3A_61 : vector<96x1xf32>
    %convert_element_type3A_391 = arith.sitofp %jit3A_387 : i32 to f32
    %min3A_392 = vector.broadcast %convert_element_type3A_391 : f32 to vector<96x1xf32>
    %min3A_393 = arith.minimumf %min3A_392, %max3A_390 : vector<96x1xf32>
    %convert_element_type3A_394 = arith.fptosi %min3A_393 : vector<96x1xf32> to vector<96x1xi32>
    %mul3A_395 = arith.constant 32 : i32
    %mul3A_396 = vector.broadcast %mul3A_395 : i32 to vector<96x1xi32>
    %mul3A_397 = arith.muli %convert_element_type3A_394, %mul3A_396 : vector<96x1xi32>
    %add3A_398 = arith.addi %mul3A_397, %convert_element_type3A_385 : vector<96x1xi32>
    %eq3A_399 = vector.broadcast %add3A_398 : vector<96x1xi32> to vector<96x1024xi32>
    %eq3A_400 = arith.cmpi eq, %iota3A, %eq3A_399 : vector<96x1024xi32>
    %and3A_401 = vector.broadcast %and3A_376 : vector<96x1xi1> to vector<96x1024xi1>
    %and3A_402 = arith.andi %eq3A_400, %and3A_401 : vector<96x1024xi1>
    %convert_element_type3A_403 = arith.extui %and3A_402 : vector<96x1024xi1> to vector<96x1024xi32>
    %convert_element_type3A_404 = arith.sitofp %convert_element_type3A_403 : vector<96x1024xi32> to vector<96x1024xf32>
    %mul3A_405 = vector.broadcast %min3A : vector<1x1024xf32> to vector<96x1024xf32>
    %mul3A_406 = arith.mulf %convert_element_type3A_404, %mul3A_405 : vector<96x1024xf32>
    %reduce_sum3A_407 = arith.constant dense<0.000000e+00> : vector<96xf32>
    %reduce_sum3A_408 = vector.multi_reduction <add>, %mul3A_406, %reduce_sum3A_407 [1] : vector<96x1024xf32> to vector<96xf32>
    %broadcast_in_dim3A_409 = vector.shape_cast %reduce_sum3A_408 : vector<96xf32> to vector<96x1xf32>
    %mul3A_410 = arith.mulf %sub3A_39, %sub3A_62 : vector<96x1xf32>
    %mul3A_411 = arith.mulf %broadcast_in_dim3A_409, %mul3A_410 : vector<96x1xf32>
    %add3A_412 = arith.addf %add3A_361, %mul3A_411 : vector<96x1xf32>
    %ge3A_413 = arith.constant 0.000000e+00 : f32
    %ge3A_414 = vector.broadcast %ge3A_413 : f32 to vector<96x1xf32>
    %ge3A_415 = arith.cmpf oge, %add3A_35, %ge3A_414 : vector<96x1xf32>
    %lt3A_416 = arith.constant 3.200000e+01 : f32
    %lt3A_417 = vector.broadcast %lt3A_416 : f32 to vector<96x1xf32>
    %lt3A_418 = arith.cmpf olt, %add3A_35, %lt3A_417 : vector<96x1xf32>
    %and3A_419 = arith.andi %ge3A_415, %lt3A_418 : vector<96x1xi1>
    %ge3A_420 = arith.constant 0.000000e+00 : f32
    %ge3A_421 = vector.broadcast %ge3A_420 : f32 to vector<96x1xf32>
    %ge3A_422 = arith.cmpf oge, %add3A_61, %ge3A_421 : vector<96x1xf32>
    %and3A_423 = arith.andi %and3A_419, %ge3A_422 : vector<96x1xi1>
    %lt3A_424 = arith.constant 3.200000e+01 : f32
    %lt3A_425 = vector.broadcast %lt3A_424 : f32 to vector<96x1xf32>
    %lt3A_426 = arith.cmpf olt, %add3A_61, %lt3A_425 : vector<96x1xf32>
    %and3A_427 = arith.andi %and3A_423, %lt3A_426 : vector<96x1xi1>
    %jit3A_428 = arith.constant 0 : i32
    %jit3A_429 = arith.constant 31 : i32
    %convert_element_type3A_430 = arith.sitofp %jit3A_428 : i32 to f32
    %max3A_431 = vector.broadcast %convert_element_type3A_430 : f32 to vector<96x1xf32>
    %max3A_432 = arith.maximumf %max3A_431, %add3A_35 : vector<96x1xf32>
    %convert_element_type3A_433 = arith.sitofp %jit3A_429 : i32 to f32
    %min3A_434 = vector.broadcast %convert_element_type3A_433 : f32 to vector<96x1xf32>
    %min3A_435 = arith.minimumf %min3A_434, %max3A_432 : vector<96x1xf32>
    %convert_element_type3A_436 = arith.fptosi %min3A_435 : vector<96x1xf32> to vector<96x1xi32>
    %jit3A_437 = arith.constant 0 : i32
    %jit3A_438 = arith.constant 31 : i32
    %convert_element_type3A_439 = arith.sitofp %jit3A_437 : i32 to f32
    %max3A_440 = vector.broadcast %convert_element_type3A_439 : f32 to vector<96x1xf32>
    %max3A_441 = arith.maximumf %max3A_440, %add3A_61 : vector<96x1xf32>
    %convert_element_type3A_442 = arith.sitofp %jit3A_438 : i32 to f32
    %min3A_443 = vector.broadcast %convert_element_type3A_442 : f32 to vector<96x1xf32>
    %min3A_444 = arith.minimumf %min3A_443, %max3A_441 : vector<96x1xf32>
    %convert_element_type3A_445 = arith.fptosi %min3A_444 : vector<96x1xf32> to vector<96x1xi32>
    %mul3A_446 = arith.constant 32 : i32
    %mul3A_447 = vector.broadcast %mul3A_446 : i32 to vector<96x1xi32>
    %mul3A_448 = arith.muli %convert_element_type3A_445, %mul3A_447 : vector<96x1xi32>
    %add3A_449 = arith.addi %mul3A_448, %convert_element_type3A_436 : vector<96x1xi32>
    %eq3A_450 = vector.broadcast %add3A_449 : vector<96x1xi32> to vector<96x1024xi32>
    %eq3A_451 = arith.cmpi eq, %iota3A, %eq3A_450 : vector<96x1024xi32>
    %and3A_452 = vector.broadcast %and3A_427 : vector<96x1xi1> to vector<96x1024xi1>
    %and3A_453 = arith.andi %eq3A_451, %and3A_452 : vector<96x1024xi1>
    %convert_element_type3A_454 = arith.extui %and3A_453 : vector<96x1024xi1> to vector<96x1024xi32>
    %convert_element_type3A_455 = arith.sitofp %convert_element_type3A_454 : vector<96x1024xi32> to vector<96x1024xf32>
    %mul3A_456 = vector.broadcast %min3A : vector<1x1024xf32> to vector<96x1024xf32>
    %mul3A_457 = arith.mulf %convert_element_type3A_455, %mul3A_456 : vector<96x1024xf32>
    %reduce_sum3A_458 = arith.constant dense<0.000000e+00> : vector<96xf32>
    %reduce_sum3A_459 = vector.multi_reduction <add>, %mul3A_457, %reduce_sum3A_458 [1] : vector<96x1024xf32> to vector<96xf32>
    %broadcast_in_dim3A_460 = vector.shape_cast %reduce_sum3A_459 : vector<96xf32> to vector<96x1xf32>
    %mul3A_461 = arith.mulf %sub3A_36, %sub3A_62 : vector<96x1xf32>
    %mul3A_462 = arith.mulf %broadcast_in_dim3A_460, %mul3A_461 : vector<96x1xf32>
    %add3A_463 = arith.addf %add3A_412, %mul3A_462 : vector<96x1xf32>
    %sub3A_464 = arith.subf %add3A_260, %add3A_463 : vector<96x1xf32>
    %mul3A_465 = arith.constant -1.000000e+00 : f32
    %mul3A_466 = vector.broadcast %mul3A_465 : f32 to vector<96x1xf32>
    %mul3A_467 = arith.mulf %mul3A_466, %sub3A_464 : vector<96x1xf32>
    %iota3A_468 = tpu.iota {dimensions = array<i32: 0>} : vector<96x96xi32>
    %iota3A_469 = tpu.iota {dimensions = array<i32: 1>} : vector<96x96xi32>
    %eq3A_470 = arith.cmpi eq, %iota3A_468, %iota3A_469 : vector<96x96xi32>
    %jit3A_471 = arith.constant 0.000000e+00 : f32
    %broadcast_in_dim3A_472 = vector.shape_cast %mul3A_467 : vector<96x1xf32> to vector<96x1xf32>
    %broadcast_in_dim3A_473 = vector.broadcast %broadcast_in_dim3A_472 : vector<96x1xf32> to vector<96x96xf32>
    %broadcast_in_dim3A_474 = vector.broadcast %jit3A_471 : f32 to vector<96x96xf32>
    %select_n3A = arith.select %eq3A_470, %broadcast_in_dim3A_473, %broadcast_in_dim3A_474 : vector<96x96xi1>, vector<96x96xf32>
    %reduce_sum3A_475 = arith.constant dense<0.000000e+00> : vector<96xf32>
    %reduce_sum3A_476 = vector.multi_reduction <add>, %select_n3A, %reduce_sum3A_475 [0] : vector<96x96xf32> to vector<96xf32>
    %broadcast_in_dim3A_477 = vector.shape_cast %reduce_sum3A_476 : vector<96xf32> to vector<1x96xf32>
    %gt3A = vector.broadcast %broadcast_in_dim3A_477 : vector<1x96xf32> to vector<96x96xf32>
    %gt3A_478 = vector.broadcast %mul3A_467 : vector<96x1xf32> to vector<96x96xf32>
    %gt3A_479 = arith.cmpf ogt, %gt3A, %gt3A_478 : vector<96x96xf32>
    %eq3A_480 = vector.broadcast %broadcast_in_dim3A_477 : vector<1x96xf32> to vector<96x96xf32>
    %eq3A_481 = vector.broadcast %mul3A_467 : vector<96x1xf32> to vector<96x96xf32>
    %eq3A_482 = arith.cmpf oeq, %eq3A_480, %eq3A_481 : vector<96x96xf32>
    %lt3A_483 = arith.cmpi slt, %iota3A_469, %iota3A_468 : vector<96x96xi32>
    %and3A_484 = arith.andi %eq3A_482, %lt3A_483 : vector<96x96xi1>
    %or3A = arith.ori %gt3A_479, %and3A_484 : vector<96x96xi1>
    %convert_element_type3A_485 = arith.extui %or3A : vector<96x96xi1> to vector<96x96xi32>
    %reduce_sum3A_486 = arith.constant dense<0> : vector<96xi32>
    %reduce_sum3A_487 = vector.multi_reduction <add>, %convert_element_type3A_485, %reduce_sum3A_486 [1] : vector<96x96xi32> to vector<96xi32>
    %broadcast_in_dim3A_488 = vector.shape_cast %reduce_sum3A_487 : vector<96xi32> to vector<96x1xi32>
    %jit3A_489 = arith.constant 0 : i32
    %broadcast_in_dim3A_490 = vector.shape_cast %broadcast_in_dim3A_488 : vector<96x1xi32> to vector<96x1xi32>
    %broadcast_in_dim3A_491 = vector.broadcast %broadcast_in_dim3A_490 : vector<96x1xi32> to vector<96x96xi32>
    %broadcast_in_dim3A_492 = vector.broadcast %jit3A_489 : i32 to vector<96x96xi32>
    %select_n3A_493 = arith.select %eq3A_470, %broadcast_in_dim3A_491, %broadcast_in_dim3A_492 : vector<96x96xi1>, vector<96x96xi32>
    %reduce_sum3A_494 = arith.constant dense<0> : vector<96xi32>
    %reduce_sum3A_495 = vector.multi_reduction <add>, %select_n3A_493, %reduce_sum3A_494 [0] : vector<96x96xi32> to vector<96xi32>
    %broadcast_in_dim3A_496 = vector.shape_cast %reduce_sum3A_495 : vector<96xi32> to vector<1x96xi32>
    %iota3A_497 = tpu.iota {dimensions = array<i32: 0>} : vector<24x96xi32>
    %eq3A_498 = vector.broadcast %broadcast_in_dim3A_496 : vector<1x96xi32> to vector<24x96xi32>
    %eq3A_499 = arith.cmpi eq, %iota3A_497, %eq3A_498 : vector<24x96xi32>
    %convert_element_type3A_500 = arith.extui %eq3A_499 : vector<24x96xi1> to vector<24x96xi32>
    %convert_element_type3A_501 = arith.sitofp %convert_element_type3A_500 : vector<24x96xi32> to vector<24x96xf32>
    %jit3A_502 = arith.constant 0.000000e+00 : f32
    %broadcast_in_dim3A_503 = vector.shape_cast %slice3A_17 : vector<96x1xf32> to vector<96x1xf32>
    %broadcast_in_dim3A_504 = vector.broadcast %broadcast_in_dim3A_503 : vector<96x1xf32> to vector<96x96xf32>
    %broadcast_in_dim3A_505 = vector.broadcast %jit3A_502 : f32 to vector<96x96xf32>
    %select_n3A_506 = arith.select %eq3A_470, %broadcast_in_dim3A_504, %broadcast_in_dim3A_505 : vector<96x96xi1>, vector<96x96xf32>
    %reduce_sum3A_507 = arith.constant dense<0.000000e+00> : vector<96xf32>
    %reduce_sum3A_508 = vector.multi_reduction <add>, %select_n3A_506, %reduce_sum3A_507 [0] : vector<96x96xf32> to vector<96xf32>
    %broadcast_in_dim3A_509 = vector.shape_cast %reduce_sum3A_508 : vector<96xf32> to vector<1x96xf32>
    %jit3A_510 = arith.constant 0.000000e+00 : f32
    %broadcast_in_dim3A_511 = vector.shape_cast %slice3A_18 : vector<96x1xf32> to vector<96x1xf32>
    %broadcast_in_dim3A_512 = vector.broadcast %broadcast_in_dim3A_511 : vector<96x1xf32> to vector<96x96xf32>
    %broadcast_in_dim3A_513 = vector.broadcast %jit3A_510 : f32 to vector<96x96xf32>
    %select_n3A_514 = arith.select %eq3A_470, %broadcast_in_dim3A_512, %broadcast_in_dim3A_513 : vector<96x96xi1>, vector<96x96xf32>
    %reduce_sum3A_515 = arith.constant dense<0.000000e+00> : vector<96xf32>
    %reduce_sum3A_516 = vector.multi_reduction <add>, %select_n3A_514, %reduce_sum3A_515 [0] : vector<96x96xf32> to vector<96xf32>
    %broadcast_in_dim3A_517 = vector.shape_cast %reduce_sum3A_516 : vector<96xf32> to vector<1x96xf32>
    %mul3A_518 = vector.broadcast %broadcast_in_dim3A_509 : vector<1x96xf32> to vector<24x96xf32>
    %mul3A_519 = arith.mulf %convert_element_type3A_501, %mul3A_518 : vector<24x96xf32>
    %reduce_sum3A_520 = arith.constant dense<0.000000e+00> : vector<24xf32>
    %reduce_sum3A_521 = vector.multi_reduction <add>, %mul3A_519, %reduce_sum3A_520 [1] : vector<24x96xf32> to vector<24xf32>
    %broadcast_in_dim3A_522 = vector.shape_cast %reduce_sum3A_521 : vector<24xf32> to vector<24x1xf32>
    %mul3A_523 = vector.broadcast %broadcast_in_dim3A_517 : vector<1x96xf32> to vector<24x96xf32>
    %mul3A_524 = arith.mulf %convert_element_type3A_501, %mul3A_523 : vector<24x96xf32>
    %reduce_sum3A_525 = arith.constant dense<0.000000e+00> : vector<24xf32>
    %reduce_sum3A_526 = vector.multi_reduction <add>, %mul3A_524, %reduce_sum3A_525 [1] : vector<24x96xf32> to vector<24xf32>
    %broadcast_in_dim3A_527 = vector.shape_cast %reduce_sum3A_526 : vector<24xf32> to vector<24x1xf32>
    %concatenate3A = tpu.concatenate %broadcast_in_dim3A_522, %broadcast_in_dim3A_527 in 1 : vector<24x1xf32>, vector<24x1xf32> -> vector<24x2xf32>
    %concatenate3A_528 = tpu.concatenate %concatenate3A, %get3A_13 in 0 : vector<24x2xf32>, vector<8x2xf32> -> vector<32x2xf32>
    %swap3A = arith.constant 0 : index
    %swap3A_529 = arith.constant 0 : index
    %swap3A_530 = arith.constant 0 : index
    %swap3A_531 = vector.load %arg4[%swap3A, %swap3A_529, %swap3A_530] : memref<1x32x2xf32, #tpu.memory_space<vmem>>, vector<1x32x2xf32>
    %swap3A_532 = vector.shape_cast %swap3A_531 : vector<1x32x2xf32> to vector<32x2xf32>
    %swap3A_533 = vector.shape_cast %concatenate3A_528 : vector<32x2xf32> to vector<1x32x2xf32>
    tpu.vector_store %arg4[%swap3A, %swap3A_529, %swap3A_530], %swap3A_533 {strides = array<i32>} : memref<1x32x2xf32, #tpu.memory_space<vmem>>, vector<1x32x2xf32>,
    %slice3A_534 = vector.extract_strided_slice %concatenate3A_528 {offsets = [0, 0], sizes = [32, 1], strides = [1, 1]} : vector<32x2xf32> to vector<32x1xf32>
    %mul3A_535 = arith.constant 2.000000e+00 : f32
    %mul3A_536 = vector.broadcast %mul3A_535 : f32 to vector<32x1xf32>
    %mul3A_537 = arith.mulf %mul3A_536, %slice3A_534 : vector<32x1xf32>
    %sub3A_538 = arith.constant 1.000000e+00 : f32
    %sub3A_539 = vector.broadcast %sub3A_538 : f32 to vector<32x1xf32>
    %sub3A_540 = arith.subf %mul3A_537, %sub3A_539 : vector<32x1xf32>
    %add3A_541 = arith.constant 1.000000e+00 : f32
    %add3A_542 = vector.broadcast %add3A_541 : f32 to vector<32x1xf32>
    %add3A_543 = arith.addf %sub3A_540, %add3A_542 : vector<32x1xf32>
    %mul3A_544 = arith.constant 1.280000e+02 : f32
    %mul3A_545 = vector.broadcast %mul3A_544 : f32 to vector<32x1xf32>
    %mul3A_546 = arith.mulf %add3A_543, %mul3A_545 : vector<32x1xf32>
    %sub3A_547 = arith.constant 1.000000e+00 : f32
    %sub3A_548 = vector.broadcast %sub3A_547 : f32 to vector<32x1xf32>
    %sub3A_549 = arith.subf %mul3A_546, %sub3A_548 : vector<32x1xf32>
    %div3A_550 = arith.constant 2.000000e+00 : f32
    %div3A_551 = vector.broadcast %div3A_550 : f32 to vector<32x1xf32>
    %div3A_552 = arith.divf %sub3A_549, %div3A_551 : vector<32x1xf32>
    %floor3A_553 = math.floor %div3A_552 : vector<32x1xf32>
    %add3A_554 = arith.constant 1.000000e+00 : f32
    %add3A_555 = vector.broadcast %add3A_554 : f32 to vector<32x1xf32>
    %add3A_556 = arith.addf %floor3A_553, %add3A_555 : vector<32x1xf32>
    %slice3A_557 = vector.extract_strided_slice %concatenate3A_528 {offsets = [0, 1], sizes = [32, 1], strides = [1, 1]} : vector<32x2xf32> to vector<32x1xf32>
    %mul3A_558 = arith.constant 2.000000e+00 : f32
    %mul3A_559 = vector.broadcast %mul3A_558 : f32 to vector<32x1xf32>
    %mul3A_560 = arith.mulf %mul3A_559, %slice3A_557 : vector<32x1xf32>
    %sub3A_561 = arith.constant 1.000000e+00 : f32
    %sub3A_562 = vector.broadcast %sub3A_561 : f32 to vector<32x1xf32>
    %sub3A_563 = arith.subf %mul3A_560, %sub3A_562 : vector<32x1xf32>
    %add3A_564 = arith.constant 1.000000e+00 : f32
    %add3A_565 = vector.broadcast %add3A_564 : f32 to vector<32x1xf32>
    %add3A_566 = arith.addf %sub3A_563, %add3A_565 : vector<32x1xf32>
    %mul3A_567 = arith.constant 1.280000e+02 : f32
    %mul3A_568 = vector.broadcast %mul3A_567 : f32 to vector<32x1xf32>
    %mul3A_569 = arith.mulf %add3A_566, %mul3A_568 : vector<32x1xf32>
    %sub3A_570 = arith.constant 1.000000e+00 : f32
    %sub3A_571 = vector.broadcast %sub3A_570 : f32 to vector<32x1xf32>
    %sub3A_572 = arith.subf %mul3A_569, %sub3A_571 : vector<32x1xf32>
    %div3A_573 = arith.constant 2.000000e+00 : f32
    %div3A_574 = vector.broadcast %div3A_573 : f32 to vector<32x1xf32>
    %div3A_575 = arith.divf %sub3A_572, %div3A_574 : vector<32x1xf32>
    %floor3A_576 = math.floor %div3A_575 : vector<32x1xf32>
    %add3A_577 = arith.constant 1.000000e+00 : f32
    %add3A_578 = vector.broadcast %add3A_577 : f32 to vector<32x1xf32>
    %add3A_579 = arith.addf %floor3A_576, %add3A_578 : vector<32x1xf32>
    %jit3A_580 = arith.constant 0 : i32
    %jit3A_581 = arith.constant 127 : i32
    %convert_element_type3A_582 = arith.sitofp %jit3A_580 : i32 to f32
    %max3A_583 = vector.broadcast %convert_element_type3A_582 : f32 to vector<32x1xf32>
    %max3A_584 = arith.maximumf %max3A_583, %floor3A_553 : vector<32x1xf32>
    %convert_element_type3A_585 = arith.sitofp %jit3A_581 : i32 to f32
    %min3A_586 = vector.broadcast %convert_element_type3A_585 : f32 to vector<32x1xf32>
    %min3A_587 = arith.minimumf %min3A_586, %max3A_584 : vector<32x1xf32>
    %convert_element_type3A_588 = arith.fptosi %min3A_587 : vector<32x1xf32> to vector<32x1xi32>
    %jit3A_589 = arith.constant 0 : i32
    %jit3A_590 = arith.constant 127 : i32
    %convert_element_type3A_591 = arith.sitofp %jit3A_589 : i32 to f32
    %max3A_592 = vector.broadcast %convert_element_type3A_591 : f32 to vector<32x1xf32>
    %max3A_593 = arith.maximumf %max3A_592, %add3A_556 : vector<32x1xf32>
    %convert_element_type3A_594 = arith.sitofp %jit3A_590 : i32 to f32
    %min3A_595 = vector.broadcast %convert_element_type3A_594 : f32 to vector<32x1xf32>
    %min3A_596 = arith.minimumf %min3A_595, %max3A_593 : vector<32x1xf32>
    %convert_element_type3A_597 = arith.fptosi %min3A_596 : vector<32x1xf32> to vector<32x1xi32>
    %jit3A_598 = arith.constant 0 : i32
    %jit3A_599 = arith.constant 127 : i32
    %convert_element_type3A_600 = arith.sitofp %jit3A_598 : i32 to f32
    %max3A_601 = vector.broadcast %convert_element_type3A_600 : f32 to vector<32x1xf32>
    %max3A_602 = arith.maximumf %max3A_601, %floor3A_576 : vector<32x1xf32>
    %convert_element_type3A_603 = arith.sitofp %jit3A_599 : i32 to f32
    %min3A_604 = vector.broadcast %convert_element_type3A_603 : f32 to vector<32x1xf32>
    %min3A_605 = arith.minimumf %min3A_604, %max3A_602 : vector<32x1xf32>
    %convert_element_type3A_606 = arith.fptosi %min3A_605 : vector<32x1xf32> to vector<32x1xi32>
    %jit3A_607 = arith.constant 0 : i32
    %jit3A_608 = arith.constant 127 : i32
    %convert_element_type3A_609 = arith.sitofp %jit3A_607 : i32 to f32
    %max3A_610 = vector.broadcast %convert_element_type3A_609 : f32 to vector<32x1xf32>
    %max3A_611 = arith.maximumf %max3A_610, %add3A_579 : vector<32x1xf32>
    %convert_element_type3A_612 = arith.sitofp %jit3A_608 : i32 to f32
    %min3A_613 = vector.broadcast %convert_element_type3A_612 : f32 to vector<32x1xf32>
    %min3A_614 = arith.minimumf %min3A_613, %max3A_611 : vector<32x1xf32>
    %convert_element_type3A_615 = arith.fptosi %min3A_614 : vector<32x1xf32> to vector<32x1xi32>
    %iota3A_616 = tpu.iota {dimensions = array<i32: 1>} : vector<1x128xi32>
    %shift_right_arithmetic3A = arith.constant 2 : i32
    %shift_right_arithmetic3A_617 = vector.broadcast %shift_right_arithmetic3A : i32 to vector<1x128xi32>
    %shift_right_arithmetic3A_618 = arith.shrsi %iota3A_616, %shift_right_arithmetic3A_617 : vector<1x128xi32>
    %and3A_619 = arith.constant 3 : i32
    %and3A_620 = vector.broadcast %and3A_619 : i32 to vector<1x128xi32>
    %and3A_621 = arith.andi %iota3A_616, %and3A_620 : vector<1x128xi32>
    %iota3A_622 = tpu.iota {dimensions = array<i32: 0>} : vector<32x128xi32>
    %eq3A_623 = vector.broadcast %shift_right_arithmetic3A_618 : vector<1x128xi32> to vector<32x128xi32>
    %eq3A_624 = arith.cmpi eq, %iota3A_622, %eq3A_623 : vector<32x128xi32>
    %lt3A_625 = arith.constant 2 : i32
    %lt3A_626 = vector.broadcast %lt3A_625 : i32 to vector<1x128xi32>
    %lt3A_627 = arith.cmpi slt, %and3A_621, %lt3A_626 : vector<1x128xi32>
    %jit3A_628 = arith.constant 0 : i32
    %broadcast_in_dim3A_629 = vector.shape_cast %convert_element_type3A_606 : vector<32x1xi32> to vector<32x1xi32>
    %broadcast_in_dim3A_630 = vector.broadcast %broadcast_in_dim3A_629 : vector<32x1xi32> to vector<32x128xi32>
    %broadcast_in_dim3A_631 = vector.broadcast %jit3A_628 : i32 to vector<32x128xi32>
    %select_n3A_632 = arith.select %eq3A_624, %broadcast_in_dim3A_630, %broadcast_in_dim3A_631 : vector<32x128xi1>, vector<32x128xi32>
    %reduce_sum3A_633 = arith.constant dense<0> : vector<128xi32>
    %reduce_sum3A_634 = vector.multi_reduction <add>, %select_n3A_632, %reduce_sum3A_633 [0] : vector<32x128xi32> to vector<128xi32>
    %broadcast_in_dim3A_635 = vector.shape_cast %reduce_sum3A_634 : vector<128xi32> to vector<1x128xi32>
    %jit3A_636 = arith.constant 0 : i32
    %broadcast_in_dim3A_637 = vector.shape_cast %convert_element_type3A_615 : vector<32x1xi32> to vector<32x1xi32>
    %broadcast_in_dim3A_638 = vector.broadcast %broadcast_in_dim3A_637 : vector<32x1xi32> to vector<32x128xi32>
    %broadcast_in_dim3A_639 = vector.broadcast %jit3A_636 : i32 to vector<32x128xi32>
    %select_n3A_640 = arith.select %eq3A_624, %broadcast_in_dim3A_638, %broadcast_in_dim3A_639 : vector<32x128xi1>, vector<32x128xi32>
    %reduce_sum3A_641 = arith.constant dense<0> : vector<128xi32>
    %reduce_sum3A_642 = vector.multi_reduction <add>, %select_n3A_640, %reduce_sum3A_641 [0] : vector<32x128xi32> to vector<128xi32>
    %broadcast_in_dim3A_643 = vector.shape_cast %reduce_sum3A_642 : vector<128xi32> to vector<1x128xi32>
    %select_n3A_644 = arith.select %lt3A_627, %broadcast_in_dim3A_635, %broadcast_in_dim3A_643 : vector<1x128xi1>, vector<1x128xi32>
    %and3A_645 = arith.constant 1 : i32
    %and3A_646 = vector.broadcast %and3A_645 : i32 to vector<1x128xi32>
    %and3A_647 = arith.andi %and3A_621, %and3A_646 : vector<1x128xi32>
    %eq3A_648 = arith.constant 0 : i32
    %eq3A_649 = vector.broadcast %eq3A_648 : i32 to vector<1x128xi32>
    %eq3A_650 = arith.cmpi eq, %and3A_647, %eq3A_649 : vector<1x128xi32>
    %jit3A_651 = arith.constant 0 : i32
    %broadcast_in_dim3A_652 = vector.shape_cast %convert_element_type3A_588 : vector<32x1xi32> to vector<32x1xi32>
    %broadcast_in_dim3A_653 = vector.broadcast %broadcast_in_dim3A_652 : vector<32x1xi32> to vector<32x128xi32>
    %broadcast_in_dim3A_654 = vector.broadcast %jit3A_651 : i32 to vector<32x128xi32>
    %select_n3A_655 = arith.select %eq3A_624, %broadcast_in_dim3A_653, %broadcast_in_dim3A_654 : vector<32x128xi1>, vector<32x128xi32>
    %reduce_sum3A_656 = arith.constant dense<0> : vector<128xi32>
    %reduce_sum3A_657 = vector.multi_reduction <add>, %select_n3A_655, %reduce_sum3A_656 [0] : vector<32x128xi32> to vector<128xi32>
    %broadcast_in_dim3A_658 = vector.shape_cast %reduce_sum3A_657 : vector<128xi32> to vector<1x128xi32>
    %jit3A_659 = arith.constant 0 : i32
    %broadcast_in_dim3A_660 = vector.shape_cast %convert_element_type3A_597 : vector<32x1xi32> to vector<32x1xi32>
    %broadcast_in_dim3A_661 = vector.broadcast %broadcast_in_dim3A_660 : vector<32x1xi32> to vector<32x128xi32>
    %broadcast_in_dim3A_662 = vector.broadcast %jit3A_659 : i32 to vector<32x128xi32>
    %select_n3A_663 = arith.select %eq3A_624, %broadcast_in_dim3A_661, %broadcast_in_dim3A_662 : vector<32x128xi1>, vector<32x128xi32>
    %reduce_sum3A_664 = arith.constant dense<0> : vector<128xi32>
    %reduce_sum3A_665 = vector.multi_reduction <add>, %select_n3A_663, %reduce_sum3A_664 [0] : vector<32x128xi32> to vector<128xi32>
    %broadcast_in_dim3A_666 = vector.shape_cast %reduce_sum3A_665 : vector<128xi32> to vector<1x128xi32>
    %select_n3A_667 = arith.select %eq3A_650, %broadcast_in_dim3A_658, %broadcast_in_dim3A_666 : vector<1x128xi1>, vector<1x128xi32>
    %mul3A_668 = arith.constant 8 : i32
    %mul3A_669 = vector.broadcast %mul3A_668 : i32 to vector<1x128xi32>
    %mul3A_670 = arith.muli %select_n3A_644, %mul3A_669 : vector<1x128xi32>
    %shift_right_arithmetic3A_671 = arith.constant 4 : i32
    %shift_right_arithmetic3A_672 = vector.broadcast %shift_right_arithmetic3A_671 : i32 to vector<1x128xi32>
    %shift_right_arithmetic3A_673 = arith.shrsi %select_n3A_667, %shift_right_arithmetic3A_672 : vector<1x128xi32>
    %add3A_674 = arith.addi %mul3A_670, %shift_right_arithmetic3A_673 : vector<1x128xi32>
    %iota3A_675 = tpu.iota {dimensions = array<i32: 0>} : vector<512x128xi32>
    %mul3A_676 = arith.constant 512 : i32
    %mul3A_677 = arith.muli %arg0, %mul3A_676 : i32
    %add3A_678 = vector.broadcast %mul3A_677 : i32 to vector<512x128xi32>
    %add3A_679 = arith.addi %iota3A_675, %add3A_678 : vector<512x128xi32>
    %mul3A_680 = arith.constant 1024 : i32
    %mul3A_681 = vector.broadcast %mul3A_680 : i32 to vector<512x128xi32>
    %mul3A_682 = arith.muli %add3A_679, %mul3A_681 : vector<512x128xi32>
    %add3A_683 = vector.broadcast %add3A_674 : vector<1x128xi32> to vector<512x128xi32>
    %add3A_684 = arith.addi %mul3A_682, %add3A_683 : vector<512x128xi32>
    %swap3A_685 = arith.constant 0 : index
    %swap3A_686 = arith.constant 0 : index
    %swap3A_687 = arith.constant 0 : index
    %swap3A_688 = vector.load %arg5[%swap3A_685, %swap3A_686, %swap3A_687] : memref<1x512x128xi32, #tpu.memory_space<vmem>>, vector<1x512x128xi32>
    %swap3A_689 = vector.shape_cast %swap3A_688 : vector<1x512x128xi32> to vector<512x128xi32>
    %swap3A_690 = vector.shape_cast %add3A_684 : vector<512x128xi32> to vector<1x512x128xi32>
    tpu.vector_store %arg5[%swap3A_685, %swap3A_686, %swap3A_687], %swap3A_690 {strides = array<i32>} : memref<1x512x128xi32, #tpu.memory_space<vmem>>, vector<1x512x128xi32>,
    return
  }
  func.func @transform_0(%arg0: i32) -> (i32, i32, i32) {
    %c0_i32 = arith.constant 0 : i32
    %c0_i32_0 = arith.constant 0 : i32
    %c0_i32_1 = arith.constant 0 : i32
    return %arg0, %c0_i32, %c0_i32_0 : i32, i32, i32
  }
  func.func @transform_1(%arg0: i32) -> (i32, i32, i32) {
    %c0_i32 = arith.constant 0 : i32
    %c0_i32_0 = arith.constant 0 : i32
    %c0_i32_1 = arith.constant 0 : i32
    return %arg0, %c0_i32, %c0_i32_0 : i32, i32, i32
  }
  func.func @transform_2(%arg0: i32) -> (i32, i32, i32) {
    %c0_i32 = arith.constant 0 : i32
    %c0_i32_0 = arith.constant 0 : i32
    %c0_i32_1 = arith.constant 0 : i32
    return %arg0, %c0_i32, %c0_i32_0 : i32, i32, i32
  }
  func.func @transform_3(%arg0: i32) -> (i32, i32, i32) {
    %c0_i32 = arith.constant 0 : i32
    %c0_i32_0 = arith.constant 0 : i32
    %c0_i32_1 = arith.constant 0 : i32
    return %arg0, %c0_i32, %c0_i32_0 : i32, i32, i32
  }
  func.func @transform_4(%arg0: i32) -> (i32, i32, i32) {
    %c0_i32 = arith.constant 0 : i32
    %c0_i32_0 = arith.constant 0 : i32
    %c0_i32_1 = arith.constant 0 : i32
    return %arg0, %c0_i32, %c0_i32_0 : i32, i32, i32
  }
}

module attributes {stable_mosaic.version = 14 : i64} {
  func.func @_b2_body(%arg0: i32, %arg1: memref<1x512x2048xf32, #tpu.memory_space<vmem>>, %arg2: memref<1x32x2xf32, #tpu.memory_space<vmem>>, %arg3: memref<1x2x1024xf32, #tpu.memory_space<vmem>>, %arg4: memref<2x2xf32, #tpu.memory_space<vmem>>, %arg5: memref<2x512xf32, #tpu.memory_space<vmem>>, %arg6: memref<2x1xf32, #tpu.memory_space<vmem>>, %arg7: memref<1x2x32xf32, #tpu.memory_space<vmem>>) attributes {dimension_semantics = [#tpu.dimension_semantics<arbitrary>], iteration_bounds = array<i64: 4>, scalar_prefetch = 0 : i64, scratch_operands = 0 : i64, tpu.core_type = #tpu.core_type<tc>, window_params = [{transform_indices = @transform_0, window_bounds = array<i64: 1, 512, 2048>}, {transform_indices = @transform_1, window_bounds = array<i64: 1, 32, 2>}, {transform_indices = @transform_2, window_bounds = array<i64: 1, 2, 1024>}, {pipeline_mode = #tpu.pipeline_mode<synchronous>, transform_indices = @transform_3, window_bounds = array<i64: 2, 2>}, {pipeline_mode = #tpu.pipeline_mode<synchronous>, transform_indices = @transform_4, window_bounds = array<i64: 2, 512>}, {pipeline_mode = #tpu.pipeline_mode<synchronous>, transform_indices = @transform_5, window_bounds = array<i64: 2, 1>}, {transform_indices = @transform_6, window_bounds = array<i64: 1, 2, 32>}]} {
    %get3A = arith.constant 0 : index
    %get3A_0 = arith.constant 0 : index
    %get3A_1 = arith.constant 0 : index
    %get3A_2 = vector.load %arg1[%get3A, %get3A_0, %get3A_1] : memref<1x512x2048xf32, #tpu.memory_space<vmem>>, vector<1x512x2048xf32>
    %get3A_3 = vector.shape_cast %get3A_2 : vector<1x512x2048xf32> to vector<512x2048xf32>
    %get3A_4 = arith.constant 0 : index
    %get3A_5 = arith.constant 0 : index
    %get3A_6 = arith.constant 0 : index
    %get3A_7 = vector.load %arg2[%get3A_4, %get3A_5, %get3A_6] : memref<1x32x2xf32, #tpu.memory_space<vmem>>, vector<1x32x2xf32>
    %get3A_8 = vector.shape_cast %get3A_7 : vector<1x32x2xf32> to vector<32x2xf32>
    %get3A_9 = arith.constant 0 : index
    %get3A_10 = arith.constant 0 : index
    %get3A_11 = arith.constant 0 : index
    %get3A_12 = vector.load %arg3[%get3A_9, %get3A_10, %get3A_11] : memref<1x2x1024xf32, #tpu.memory_space<vmem>>, vector<1x2x1024xf32>
    %get3A_13 = vector.shape_cast %get3A_12 : vector<1x2x1024xf32> to vector<2x1024xf32>
    %get3A_14 = arith.constant 0 : index
    %get3A_15 = arith.constant 0 : index
    %get3A_16 = vector.load %arg4[%get3A_14, %get3A_15] : memref<2x2xf32, #tpu.memory_space<vmem>>, vector<2x2xf32>
    %get3A_17 = arith.constant 0 : index
    %get3A_18 = arith.constant 0 : index
    %get3A_19 = vector.load %arg5[%get3A_17, %get3A_18] : memref<2x512xf32, #tpu.memory_space<vmem>>, vector<2x512xf32>
    %slice3A = vector.extract_strided_slice %get3A_8 {offsets = [0, 0], sizes = [32, 1], strides = [1, 1]} : vector<32x2xf32> to vector<32x1xf32>
    %slice3A_20 = vector.extract_strided_slice %get3A_8 {offsets = [0, 1], sizes = [32, 1], strides = [1, 1]} : vector<32x2xf32> to vector<32x1xf32>
    %mul3A = arith.constant 2.000000e+00 : f32
    %mul3A_21 = vector.broadcast %mul3A : f32 to vector<32x1xf32>
    %mul3A_22 = arith.mulf %mul3A_21, %slice3A : vector<32x1xf32>
    %sub3A = arith.constant 1.000000e+00 : f32
    %sub3A_23 = vector.broadcast %sub3A : f32 to vector<32x1xf32>
    %sub3A_24 = arith.subf %mul3A_22, %sub3A_23 : vector<32x1xf32>
    %add3A = arith.constant 1.000000e+00 : f32
    %add3A_25 = vector.broadcast %add3A : f32 to vector<32x1xf32>
    %add3A_26 = arith.addf %sub3A_24, %add3A_25 : vector<32x1xf32>
    %mul3A_27 = arith.constant 1.280000e+02 : f32
    %mul3A_28 = vector.broadcast %mul3A_27 : f32 to vector<32x1xf32>
    %mul3A_29 = arith.mulf %add3A_26, %mul3A_28 : vector<32x1xf32>
    %sub3A_30 = arith.constant 1.000000e+00 : f32
    %sub3A_31 = vector.broadcast %sub3A_30 : f32 to vector<32x1xf32>
    %sub3A_32 = arith.subf %mul3A_29, %sub3A_31 : vector<32x1xf32>
    %div3A = arith.constant 2.000000e+00 : f32
    %div3A_33 = vector.broadcast %div3A : f32 to vector<32x1xf32>
    %div3A_34 = arith.divf %sub3A_32, %div3A_33 : vector<32x1xf32>
    %floor3A = math.floor %div3A_34 : vector<32x1xf32>
    %add3A_35 = arith.constant 1.000000e+00 : f32
    %add3A_36 = vector.broadcast %add3A_35 : f32 to vector<32x1xf32>
    %add3A_37 = arith.addf %floor3A, %add3A_36 : vector<32x1xf32>
    %sub3A_38 = arith.subf %div3A_34, %floor3A : vector<32x1xf32>
    %sub3A_39 = arith.constant 1.000000e+00 : f32
    %sub3A_40 = vector.broadcast %sub3A_39 : f32 to vector<32x1xf32>
    %sub3A_41 = arith.subf %sub3A_40, %sub3A_38 : vector<32x1xf32>
    %mul3A_42 = arith.constant 2.000000e+00 : f32
    %mul3A_43 = vector.broadcast %mul3A_42 : f32 to vector<32x1xf32>
    %mul3A_44 = arith.mulf %mul3A_43, %slice3A_20 : vector<32x1xf32>
    %sub3A_45 = arith.constant 1.000000e+00 : f32
    %sub3A_46 = vector.broadcast %sub3A_45 : f32 to vector<32x1xf32>
    %sub3A_47 = arith.subf %mul3A_44, %sub3A_46 : vector<32x1xf32>
    %add3A_48 = arith.constant 1.000000e+00 : f32
    %add3A_49 = vector.broadcast %add3A_48 : f32 to vector<32x1xf32>
    %add3A_50 = arith.addf %sub3A_47, %add3A_49 : vector<32x1xf32>
    %mul3A_51 = arith.constant 1.280000e+02 : f32
    %mul3A_52 = vector.broadcast %mul3A_51 : f32 to vector<32x1xf32>
    %mul3A_53 = arith.mulf %add3A_50, %mul3A_52 : vector<32x1xf32>
    %sub3A_54 = arith.constant 1.000000e+00 : f32
    %sub3A_55 = vector.broadcast %sub3A_54 : f32 to vector<32x1xf32>
    %sub3A_56 = arith.subf %mul3A_53, %sub3A_55 : vector<32x1xf32>
    %div3A_57 = arith.constant 2.000000e+00 : f32
    %div3A_58 = vector.broadcast %div3A_57 : f32 to vector<32x1xf32>
    %div3A_59 = arith.divf %sub3A_56, %div3A_58 : vector<32x1xf32>
    %floor3A_60 = math.floor %div3A_59 : vector<32x1xf32>
    %add3A_61 = arith.constant 1.000000e+00 : f32
    %add3A_62 = vector.broadcast %add3A_61 : f32 to vector<32x1xf32>
    %add3A_63 = arith.addf %floor3A_60, %add3A_62 : vector<32x1xf32>
    %sub3A_64 = arith.subf %div3A_59, %floor3A_60 : vector<32x1xf32>
    %sub3A_65 = arith.constant 1.000000e+00 : f32
    %sub3A_66 = vector.broadcast %sub3A_65 : f32 to vector<32x1xf32>
    %sub3A_67 = arith.subf %sub3A_66, %sub3A_64 : vector<32x1xf32>
    %ge3A = arith.constant 0.000000e+00 : f32
    %ge3A_68 = vector.broadcast %ge3A : f32 to vector<32x1xf32>
    %ge3A_69 = arith.cmpf oge, %floor3A, %ge3A_68 : vector<32x1xf32>
    %lt3A = arith.constant 1.280000e+02 : f32
    %lt3A_70 = vector.broadcast %lt3A : f32 to vector<32x1xf32>
    %lt3A_71 = arith.cmpf olt, %floor3A, %lt3A_70 : vector<32x1xf32>
    %and3A = arith.andi %ge3A_69, %lt3A_71 : vector<32x1xi1>
    %convert_element_type3A = arith.extui %and3A : vector<32x1xi1> to vector<32x1xi32>
    %convert_element_type3A_72 = arith.sitofp %convert_element_type3A : vector<32x1xi32> to vector<32x1xf32>
    %ge3A_73 = arith.constant 0.000000e+00 : f32
    %ge3A_74 = vector.broadcast %ge3A_73 : f32 to vector<32x1xf32>
    %ge3A_75 = arith.cmpf oge, %add3A_37, %ge3A_74 : vector<32x1xf32>
    %lt3A_76 = arith.constant 1.280000e+02 : f32
    %lt3A_77 = vector.broadcast %lt3A_76 : f32 to vector<32x1xf32>
    %lt3A_78 = arith.cmpf olt, %add3A_37, %lt3A_77 : vector<32x1xf32>
    %and3A_79 = arith.andi %ge3A_75, %lt3A_78 : vector<32x1xi1>
    %convert_element_type3A_80 = arith.extui %and3A_79 : vector<32x1xi1> to vector<32x1xi32>
    %convert_element_type3A_81 = arith.sitofp %convert_element_type3A_80 : vector<32x1xi32> to vector<32x1xf32>
    %ge3A_82 = arith.constant 0.000000e+00 : f32
    %ge3A_83 = vector.broadcast %ge3A_82 : f32 to vector<32x1xf32>
    %ge3A_84 = arith.cmpf oge, %floor3A_60, %ge3A_83 : vector<32x1xf32>
    %lt3A_85 = arith.constant 1.280000e+02 : f32
    %lt3A_86 = vector.broadcast %lt3A_85 : f32 to vector<32x1xf32>
    %lt3A_87 = arith.cmpf olt, %floor3A_60, %lt3A_86 : vector<32x1xf32>
    %and3A_88 = arith.andi %ge3A_84, %lt3A_87 : vector<32x1xi1>
    %convert_element_type3A_89 = arith.extui %and3A_88 : vector<32x1xi1> to vector<32x1xi32>
    %convert_element_type3A_90 = arith.sitofp %convert_element_type3A_89 : vector<32x1xi32> to vector<32x1xf32>
    %ge3A_91 = arith.constant 0.000000e+00 : f32
    %ge3A_92 = vector.broadcast %ge3A_91 : f32 to vector<32x1xf32>
    %ge3A_93 = arith.cmpf oge, %add3A_63, %ge3A_92 : vector<32x1xf32>
    %lt3A_94 = arith.constant 1.280000e+02 : f32
    %lt3A_95 = vector.broadcast %lt3A_94 : f32 to vector<32x1xf32>
    %lt3A_96 = arith.cmpf olt, %add3A_63, %lt3A_95 : vector<32x1xf32>
    %and3A_97 = arith.andi %ge3A_93, %lt3A_96 : vector<32x1xi1>
    %convert_element_type3A_98 = arith.extui %and3A_97 : vector<32x1xi1> to vector<32x1xi32>
    %convert_element_type3A_99 = arith.sitofp %convert_element_type3A_98 : vector<32x1xi32> to vector<32x1xf32>
    %jit3A = arith.constant 0 : i32
    %jit3A_100 = arith.constant 127 : i32
    %convert_element_type3A_101 = arith.sitofp %jit3A : i32 to f32
    %max3A = vector.broadcast %convert_element_type3A_101 : f32 to vector<32x1xf32>
    %max3A_102 = arith.maximumf %max3A, %floor3A : vector<32x1xf32>
    %convert_element_type3A_103 = arith.sitofp %jit3A_100 : i32 to f32
    %min3A = vector.broadcast %convert_element_type3A_103 : f32 to vector<32x1xf32>
    %min3A_104 = arith.minimumf %min3A, %max3A_102 : vector<32x1xf32>
    %convert_element_type3A_105 = arith.fptosi %min3A_104 : vector<32x1xf32> to vector<32x1xi32>
    %and3A_106 = arith.constant 15 : i32
    %and3A_107 = vector.broadcast %and3A_106 : i32 to vector<32x1xi32>
    %and3A_108 = arith.andi %convert_element_type3A_105, %and3A_107 : vector<32x1xi32>
    %jit3A_109 = arith.constant 0 : i32
    %jit3A_110 = arith.constant 127 : i32
    %convert_element_type3A_111 = arith.sitofp %jit3A_109 : i32 to f32
    %max3A_112 = vector.broadcast %convert_element_type3A_111 : f32 to vector<32x1xf32>
    %max3A_113 = arith.maximumf %max3A_112, %add3A_37 : vector<32x1xf32>
    %convert_element_type3A_114 = arith.sitofp %jit3A_110 : i32 to f32
    %min3A_115 = vector.broadcast %convert_element_type3A_114 : f32 to vector<32x1xf32>
    %min3A_116 = arith.minimumf %min3A_115, %max3A_113 : vector<32x1xf32>
    %convert_element_type3A_117 = arith.fptosi %min3A_116 : vector<32x1xf32> to vector<32x1xi32>
    %and3A_118 = arith.constant 15 : i32
    %and3A_119 = vector.broadcast %and3A_118 : i32 to vector<32x1xi32>
    %and3A_120 = arith.andi %convert_element_type3A_117, %and3A_119 : vector<32x1xi32>
    %mul3A_121 = arith.mulf %sub3A_41, %sub3A_67 : vector<32x1xf32>
    %mul3A_122 = arith.mulf %convert_element_type3A_72, %convert_element_type3A_90 : vector<32x1xf32>
    %mul3A_123 = arith.mulf %mul3A_121, %mul3A_122 : vector<32x1xf32>
    %mul3A_124 = arith.mulf %sub3A_38, %sub3A_67 : vector<32x1xf32>
    %mul3A_125 = arith.mulf %convert_element_type3A_81, %convert_element_type3A_90 : vector<32x1xf32>
    %mul3A_126 = arith.mulf %mul3A_124, %mul3A_125 : vector<32x1xf32>
    %mul3A_127 = arith.mulf %sub3A_41, %sub3A_64 : vector<32x1xf32>
    %mul3A_128 = arith.mulf %convert_element_type3A_72, %convert_element_type3A_99 : vector<32x1xf32>
    %mul3A_129 = arith.mulf %mul3A_127, %mul3A_128 : vector<32x1xf32>
    %mul3A_130 = arith.mulf %sub3A_38, %sub3A_64 : vector<32x1xf32>
    %mul3A_131 = arith.mulf %convert_element_type3A_81, %convert_element_type3A_99 : vector<32x1xf32>
    %mul3A_132 = arith.mulf %mul3A_130, %mul3A_131 : vector<32x1xf32>
    %iota3A = tpu.iota {dimensions = array<i32: 1>} : vector<1x2048xi32>
    %and3A_133 = arith.constant 15 : i32
    %and3A_134 = vector.broadcast %and3A_133 : i32 to vector<1x2048xi32>
    %and3A_135 = arith.andi %iota3A, %and3A_134 : vector<1x2048xi32>
    %shift_right_arithmetic3A = arith.constant 4 : i32
    %shift_right_arithmetic3A_136 = vector.broadcast %shift_right_arithmetic3A : i32 to vector<1x2048xi32>
    %shift_right_arithmetic3A_137 = arith.shrsi %iota3A, %shift_right_arithmetic3A_136 : vector<1x2048xi32>
    %and3A_138 = arith.constant 3 : i32
    %and3A_139 = vector.broadcast %and3A_138 : i32 to vector<1x2048xi32>
    %and3A_140 = arith.andi %shift_right_arithmetic3A_137, %and3A_139 : vector<1x2048xi32>
    %shift_right_arithmetic3A_141 = arith.constant 6 : i32
    %shift_right_arithmetic3A_142 = vector.broadcast %shift_right_arithmetic3A_141 : i32 to vector<1x2048xi32>
    %shift_right_arithmetic3A_143 = arith.shrsi %iota3A, %shift_right_arithmetic3A_142 : vector<1x2048xi32>
    %iota3A_144 = tpu.iota {dimensions = array<i32: 0>} : vector<32x2048xi32>
    %eq3A = vector.broadcast %shift_right_arithmetic3A_143 : vector<1x2048xi32> to vector<32x2048xi32>
    %eq3A_145 = arith.cmpi eq, %iota3A_144, %eq3A : vector<32x2048xi32>
    %and3A_146 = arith.constant 1 : i32
    %and3A_147 = vector.broadcast %and3A_146 : i32 to vector<1x2048xi32>
    %and3A_148 = arith.andi %and3A_140, %and3A_147 : vector<1x2048xi32>
    %eq3A_149 = arith.constant 0 : i32
    %eq3A_150 = vector.broadcast %eq3A_149 : i32 to vector<1x2048xi32>
    %eq3A_151 = arith.cmpi eq, %and3A_148, %eq3A_150 : vector<1x2048xi32>
    %jit3A_152 = arith.constant 0 : i32
    %broadcast_in_dim3A = vector.shape_cast %and3A_108 : vector<32x1xi32> to vector<32x1xi32>
    %broadcast_in_dim3A_153 = vector.broadcast %broadcast_in_dim3A : vector<32x1xi32> to vector<32x2048xi32>
    %broadcast_in_dim3A_154 = vector.broadcast %jit3A_152 : i32 to vector<32x2048xi32>
    %select_n3A = arith.select %eq3A_145, %broadcast_in_dim3A_153, %broadcast_in_dim3A_154 : vector<32x2048xi1>, vector<32x2048xi32>
    %reduce_sum3A = arith.constant dense<0> : vector<2048xi32>
    %reduce_sum3A_155 = vector.multi_reduction <add>, %select_n3A, %reduce_sum3A [0] : vector<32x2048xi32> to vector<2048xi32>
    %broadcast_in_dim3A_156 = vector.shape_cast %reduce_sum3A_155 : vector<2048xi32> to vector<1x2048xi32>
    %jit3A_157 = arith.constant 0 : i32
    %broadcast_in_dim3A_158 = vector.shape_cast %and3A_120 : vector<32x1xi32> to vector<32x1xi32>
    %broadcast_in_dim3A_159 = vector.broadcast %broadcast_in_dim3A_158 : vector<32x1xi32> to vector<32x2048xi32>
    %broadcast_in_dim3A_160 = vector.broadcast %jit3A_157 : i32 to vector<32x2048xi32>
    %select_n3A_161 = arith.select %eq3A_145, %broadcast_in_dim3A_159, %broadcast_in_dim3A_160 : vector<32x2048xi1>, vector<32x2048xi32>
    %reduce_sum3A_162 = arith.constant dense<0> : vector<2048xi32>
    %reduce_sum3A_163 = vector.multi_reduction <add>, %select_n3A_161, %reduce_sum3A_162 [0] : vector<32x2048xi32> to vector<2048xi32>
    %broadcast_in_dim3A_164 = vector.shape_cast %reduce_sum3A_163 : vector<2048xi32> to vector<1x2048xi32>
    %select_n3A_165 = arith.select %eq3A_151, %broadcast_in_dim3A_156, %broadcast_in_dim3A_164 : vector<1x2048xi1>, vector<1x2048xi32>
    %eq3A_166 = arith.constant 0 : i32
    %eq3A_167 = vector.broadcast %eq3A_166 : i32 to vector<1x2048xi32>
    %eq3A_168 = arith.cmpi eq, %and3A_140, %eq3A_167 : vector<1x2048xi32>
    %jit3A_169 = arith.constant 0.000000e+00 : f32
    %broadcast_in_dim3A_170 = vector.shape_cast %mul3A_123 : vector<32x1xf32> to vector<32x1xf32>
    %broadcast_in_dim3A_171 = vector.broadcast %broadcast_in_dim3A_170 : vector<32x1xf32> to vector<32x2048xf32>
    %broadcast_in_dim3A_172 = vector.broadcast %jit3A_169 : f32 to vector<32x2048xf32>
    %select_n3A_173 = arith.select %eq3A_145, %broadcast_in_dim3A_171, %broadcast_in_dim3A_172 : vector<32x2048xi1>, vector<32x2048xf32>
    %reduce_sum3A_174 = arith.constant dense<0.000000e+00> : vector<2048xf32>
    %reduce_sum3A_175 = vector.multi_reduction <add>, %select_n3A_173, %reduce_sum3A_174 [0] : vector<32x2048xf32> to vector<2048xf32>
    %broadcast_in_dim3A_176 = vector.shape_cast %reduce_sum3A_175 : vector<2048xf32> to vector<1x2048xf32>
    %eq3A_177 = arith.constant 1 : i32
    %eq3A_178 = vector.broadcast %eq3A_177 : i32 to vector<1x2048xi32>
    %eq3A_179 = arith.cmpi eq, %and3A_140, %eq3A_178 : vector<1x2048xi32>
    %jit3A_180 = arith.constant 0.000000e+00 : f32
    %broadcast_in_dim3A_181 = vector.shape_cast %mul3A_126 : vector<32x1xf32> to vector<32x1xf32>
    %broadcast_in_dim3A_182 = vector.broadcast %broadcast_in_dim3A_181 : vector<32x1xf32> to vector<32x2048xf32>
    %broadcast_in_dim3A_183 = vector.broadcast %jit3A_180 : f32 to vector<32x2048xf32>
    %select_n3A_184 = arith.select %eq3A_145, %broadcast_in_dim3A_182, %broadcast_in_dim3A_183 : vector<32x2048xi1>, vector<32x2048xf32>
    %reduce_sum3A_185 = arith.constant dense<0.000000e+00> : vector<2048xf32>
    %reduce_sum3A_186 = vector.multi_reduction <add>, %select_n3A_184, %reduce_sum3A_185 [0] : vector<32x2048xf32> to vector<2048xf32>
    %broadcast_in_dim3A_187 = vector.shape_cast %reduce_sum3A_186 : vector<2048xf32> to vector<1x2048xf32>
    %eq3A_188 = arith.constant 2 : i32
    %eq3A_189 = vector.broadcast %eq3A_188 : i32 to vector<1x2048xi32>
    %eq3A_190 = arith.cmpi eq, %and3A_140, %eq3A_189 : vector<1x2048xi32>
    %jit3A_191 = arith.constant 0.000000e+00 : f32
    %broadcast_in_dim3A_192 = vector.shape_cast %mul3A_129 : vector<32x1xf32> to vector<32x1xf32>
    %broadcast_in_dim3A_193 = vector.broadcast %broadcast_in_dim3A_192 : vector<32x1xf32> to vector<32x2048xf32>
    %broadcast_in_dim3A_194 = vector.broadcast %jit3A_191 : f32 to vector<32x2048xf32>
    %select_n3A_195 = arith.select %eq3A_145, %broadcast_in_dim3A_193, %broadcast_in_dim3A_194 : vector<32x2048xi1>, vector<32x2048xf32>
    %reduce_sum3A_196 = arith.constant dense<0.000000e+00> : vector<2048xf32>
    %reduce_sum3A_197 = vector.multi_reduction <add>, %select_n3A_195, %reduce_sum3A_196 [0] : vector<32x2048xf32> to vector<2048xf32>
    %broadcast_in_dim3A_198 = vector.shape_cast %reduce_sum3A_197 : vector<2048xf32> to vector<1x2048xf32>
    %jit3A_199 = arith.constant 0.000000e+00 : f32
    %broadcast_in_dim3A_200 = vector.shape_cast %mul3A_132 : vector<32x1xf32> to vector<32x1xf32>
    %broadcast_in_dim3A_201 = vector.broadcast %broadcast_in_dim3A_200 : vector<32x1xf32> to vector<32x2048xf32>
    %broadcast_in_dim3A_202 = vector.broadcast %jit3A_199 : f32 to vector<32x2048xf32>
    %select_n3A_203 = arith.select %eq3A_145, %broadcast_in_dim3A_201, %broadcast_in_dim3A_202 : vector<32x2048xi1>, vector<32x2048xf32>
    %reduce_sum3A_204 = arith.constant dense<0.000000e+00> : vector<2048xf32>
    %reduce_sum3A_205 = vector.multi_reduction <add>, %select_n3A_203, %reduce_sum3A_204 [0] : vector<32x2048xf32> to vector<2048xf32>
    %broadcast_in_dim3A_206 = vector.shape_cast %reduce_sum3A_205 : vector<2048xf32> to vector<1x2048xf32>
    %select_n3A_207 = arith.select %eq3A_190, %broadcast_in_dim3A_198, %broadcast_in_dim3A_206 : vector<1x2048xi1>, vector<1x2048xf32>
    %select_n3A_208 = arith.select %eq3A_179, %broadcast_in_dim3A_187, %select_n3A_207 : vector<1x2048xi1>, vector<1x2048xf32>
    %select_n3A_209 = arith.select %eq3A_168, %broadcast_in_dim3A_176, %select_n3A_208 : vector<1x2048xi1>, vector<1x2048xf32>
    %eq3A_210 = arith.cmpi eq, %and3A_135, %select_n3A_165 : vector<1x2048xi32>
    %convert_element_type3A_211 = arith.extui %eq3A_210 : vector<1x2048xi1> to vector<1x2048xi32>
    %convert_element_type3A_212 = arith.sitofp %convert_element_type3A_211 : vector<1x2048xi32> to vector<1x2048xf32>
    %mul3A_213 = arith.mulf %convert_element_type3A_212, %select_n3A_209 : vector<1x2048xf32>
    %mul3A_214 = vector.broadcast %mul3A_213 : vector<1x2048xf32> to vector<512x2048xf32>
    %mul3A_215 = arith.mulf %get3A_3, %mul3A_214 : vector<512x2048xf32>
    %dot_general3A = arith.constant dense<0.000000e+00> : vector<2x2048xf32>
    %dot_general3A_216 = tpu.matmul %get3A_19, %mul3A_215, %dot_general3A {dimension_numbers = #tpu.dot_dimension_numbers<[1], [0], [0], [1], [0, 0, 1, 1], [], []>, transpose_lhs_hint = false} : vector<2x512xf32>, vector<512x2048xf32>, vector<2x2048xf32> -> vector<2x2048xf32>
    %iota3A_217 = tpu.iota {dimensions = array<i32: 0>} : vector<2048x32xi32>
    %shift_right_arithmetic3A_218 = arith.constant 6 : i32
    %shift_right_arithmetic3A_219 = vector.broadcast %shift_right_arithmetic3A_218 : i32 to vector<2048x32xi32>
    %shift_right_arithmetic3A_220 = arith.shrsi %iota3A_217, %shift_right_arithmetic3A_219 : vector<2048x32xi32>
    %iota3A_221 = tpu.iota {dimensions = array<i32: 1>} : vector<2048x32xi32>
    %eq3A_222 = arith.cmpi eq, %shift_right_arithmetic3A_220, %iota3A_221 : vector<2048x32xi32>
    %convert_element_type3A_223 = arith.extui %eq3A_222 : vector<2048x32xi1> to vector<2048x32xi32>
    %convert_element_type3A_224 = arith.sitofp %convert_element_type3A_223 : vector<2048x32xi32> to vector<2048x32xf32>
    %dot_general3A_225 = arith.constant dense<0.000000e+00> : vector<2x32xf32>
    %dot_general3A_226 = tpu.matmul %dot_general3A_216, %convert_element_type3A_224, %dot_general3A_225 {dimension_numbers = #tpu.dot_dimension_numbers<[1], [0], [0], [1], [0, 0, 1, 1], [], []>, transpose_lhs_hint = false} : vector<2x2048xf32>, vector<2048x32xf32>, vector<2x32xf32> -> vector<2x32xf32>
    %slice3A_227 = vector.extract_strided_slice %get3A_16 {offsets = [0, 0], sizes = [2, 1], strides = [1, 1]} : vector<2x2xf32> to vector<2x1xf32>
    %slice3A_228 = vector.extract_strided_slice %get3A_13 {offsets = [0, 0], sizes = [1, 1024], strides = [1, 1]} : vector<2x1024xf32> to vector<1x1024xf32>
    %mul3A_229 = vector.broadcast %slice3A_227 : vector<2x1xf32> to vector<2x1024xf32>
    %mul3A_230 = vector.broadcast %slice3A_228 : vector<1x1024xf32> to vector<2x1024xf32>
    %mul3A_231 = arith.mulf %mul3A_229, %mul3A_230 : vector<2x1024xf32>
    %slice3A_232 = vector.extract_strided_slice %get3A_16 {offsets = [0, 1], sizes = [2, 1], strides = [1, 1]} : vector<2x2xf32> to vector<2x1xf32>
    %slice3A_233 = vector.extract_strided_slice %get3A_13 {offsets = [1, 0], sizes = [1, 1024], strides = [1, 1]} : vector<2x1024xf32> to vector<1x1024xf32>
    %mul3A_234 = vector.broadcast %slice3A_232 : vector<2x1xf32> to vector<2x1024xf32>
    %mul3A_235 = vector.broadcast %slice3A_233 : vector<1x1024xf32> to vector<2x1024xf32>
    %mul3A_236 = arith.mulf %mul3A_234, %mul3A_235 : vector<2x1024xf32>
    %add3A_237 = arith.addf %mul3A_231, %mul3A_236 : vector<2x1024xf32>
    %iota3A_238 = tpu.iota {dimensions = array<i32: 0>} : vector<32x32xi32>
    %iota3A_239 = tpu.iota {dimensions = array<i32: 1>} : vector<32x32xi32>
    %eq3A_240 = arith.cmpi eq, %iota3A_238, %iota3A_239 : vector<32x32xi32>
    %jit3A_241 = arith.constant 0.000000e+00 : f32
    %broadcast_in_dim3A_242 = vector.shape_cast %slice3A : vector<32x1xf32> to vector<32x1xf32>
    %broadcast_in_dim3A_243 = vector.broadcast %broadcast_in_dim3A_242 : vector<32x1xf32> to vector<32x32xf32>
    %broadcast_in_dim3A_244 = vector.broadcast %jit3A_241 : f32 to vector<32x32xf32>
    %select_n3A_245 = arith.select %eq3A_240, %broadcast_in_dim3A_243, %broadcast_in_dim3A_244 : vector<32x32xi1>, vector<32x32xf32>
    %reduce_sum3A_246 = arith.constant dense<0.000000e+00> : vector<32xf32>
    %reduce_sum3A_247 = vector.multi_reduction <add>, %select_n3A_245, %reduce_sum3A_246 [0] : vector<32x32xf32> to vector<32xf32>
    %broadcast_in_dim3A_248 = vector.shape_cast %reduce_sum3A_247 : vector<32xf32> to vector<1x32xf32>
    %jit3A_249 = arith.constant 0.000000e+00 : f32
    %broadcast_in_dim3A_250 = vector.shape_cast %slice3A_20 : vector<32x1xf32> to vector<32x1xf32>
    %broadcast_in_dim3A_251 = vector.broadcast %broadcast_in_dim3A_250 : vector<32x1xf32> to vector<32x32xf32>
    %broadcast_in_dim3A_252 = vector.broadcast %jit3A_249 : f32 to vector<32x32xf32>
    %select_n3A_253 = arith.select %eq3A_240, %broadcast_in_dim3A_251, %broadcast_in_dim3A_252 : vector<32x32xi1>, vector<32x32xf32>
    %reduce_sum3A_254 = arith.constant dense<0.000000e+00> : vector<32xf32>
    %reduce_sum3A_255 = vector.multi_reduction <add>, %select_n3A_253, %reduce_sum3A_254 [0] : vector<32x32xf32> to vector<32xf32>
    %broadcast_in_dim3A_256 = vector.shape_cast %reduce_sum3A_255 : vector<32xf32> to vector<1x32xf32>
    %mul3A_257 = arith.constant 2.000000e+00 : f32
    %mul3A_258 = vector.broadcast %mul3A_257 : f32 to vector<1x32xf32>
    %mul3A_259 = arith.mulf %mul3A_258, %broadcast_in_dim3A_248 : vector<1x32xf32>
    %sub3A_260 = arith.constant 1.000000e+00 : f32
    %sub3A_261 = vector.broadcast %sub3A_260 : f32 to vector<1x32xf32>
    %sub3A_262 = arith.subf %mul3A_259, %sub3A_261 : vector<1x32xf32>
    %add3A_263 = arith.constant 1.000000e+00 : f32
    %add3A_264 = vector.broadcast %add3A_263 : f32 to vector<1x32xf32>
    %add3A_265 = arith.addf %sub3A_262, %add3A_264 : vector<1x32xf32>
    %mul3A_266 = arith.constant 3.200000e+01 : f32
    %mul3A_267 = vector.broadcast %mul3A_266 : f32 to vector<1x32xf32>
    %mul3A_268 = arith.mulf %add3A_265, %mul3A_267 : vector<1x32xf32>
    %sub3A_269 = arith.constant 1.000000e+00 : f32
    %sub3A_270 = vector.broadcast %sub3A_269 : f32 to vector<1x32xf32>
    %sub3A_271 = arith.subf %mul3A_268, %sub3A_270 : vector<1x32xf32>
    %div3A_272 = arith.constant 2.000000e+00 : f32
    %div3A_273 = vector.broadcast %div3A_272 : f32 to vector<1x32xf32>
    %div3A_274 = arith.divf %sub3A_271, %div3A_273 : vector<1x32xf32>
    %floor3A_275 = math.floor %div3A_274 : vector<1x32xf32>
    %add3A_276 = arith.constant 1.000000e+00 : f32
    %add3A_277 = vector.broadcast %add3A_276 : f32 to vector<1x32xf32>
    %add3A_278 = arith.addf %floor3A_275, %add3A_277 : vector<1x32xf32>
    %sub3A_279 = arith.subf %div3A_274, %floor3A_275 : vector<1x32xf32>
    %sub3A_280 = arith.constant 1.000000e+00 : f32
    %sub3A_281 = vector.broadcast %sub3A_280 : f32 to vector<1x32xf32>
    %sub3A_282 = arith.subf %sub3A_281, %sub3A_279 : vector<1x32xf32>
    %mul3A_283 = arith.constant 2.000000e+00 : f32
    %mul3A_284 = vector.broadcast %mul3A_283 : f32 to vector<1x32xf32>
    %mul3A_285 = arith.mulf %mul3A_284, %broadcast_in_dim3A_256 : vector<1x32xf32>
    %sub3A_286 = arith.constant 1.000000e+00 : f32
    %sub3A_287 = vector.broadcast %sub3A_286 : f32 to vector<1x32xf32>
    %sub3A_288 = arith.subf %mul3A_285, %sub3A_287 : vector<1x32xf32>
    %add3A_289 = arith.constant 1.000000e+00 : f32
    %add3A_290 = vector.broadcast %add3A_289 : f32 to vector<1x32xf32>
    %add3A_291 = arith.addf %sub3A_288, %add3A_290 : vector<1x32xf32>
    %mul3A_292 = arith.constant 3.200000e+01 : f32
    %mul3A_293 = vector.broadcast %mul3A_292 : f32 to vector<1x32xf32>
    %mul3A_294 = arith.mulf %add3A_291, %mul3A_293 : vector<1x32xf32>
    %sub3A_295 = arith.constant 1.000000e+00 : f32
    %sub3A_296 = vector.broadcast %sub3A_295 : f32 to vector<1x32xf32>
    %sub3A_297 = arith.subf %mul3A_294, %sub3A_296 : vector<1x32xf32>
    %div3A_298 = arith.constant 2.000000e+00 : f32
    %div3A_299 = vector.broadcast %div3A_298 : f32 to vector<1x32xf32>
    %div3A_300 = arith.divf %sub3A_297, %div3A_299 : vector<1x32xf32>
    %floor3A_301 = math.floor %div3A_300 : vector<1x32xf32>
    %add3A_302 = arith.constant 1.000000e+00 : f32
    %add3A_303 = vector.broadcast %add3A_302 : f32 to vector<1x32xf32>
    %add3A_304 = arith.addf %floor3A_301, %add3A_303 : vector<1x32xf32>
    %sub3A_305 = arith.subf %div3A_300, %floor3A_301 : vector<1x32xf32>
    %sub3A_306 = arith.constant 1.000000e+00 : f32
    %sub3A_307 = vector.broadcast %sub3A_306 : f32 to vector<1x32xf32>
    %sub3A_308 = arith.subf %sub3A_307, %sub3A_305 : vector<1x32xf32>
    %iota3A_309 = tpu.iota {dimensions = array<i32: 0>} : vector<1024x32xi32>
    %ge3A_310 = arith.constant 0.000000e+00 : f32
    %ge3A_311 = vector.broadcast %ge3A_310 : f32 to vector<1x32xf32>
    %ge3A_312 = arith.cmpf oge, %floor3A_275, %ge3A_311 : vector<1x32xf32>
    %lt3A_313 = arith.constant 3.200000e+01 : f32
    %lt3A_314 = vector.broadcast %lt3A_313 : f32 to vector<1x32xf32>
    %lt3A_315 = arith.cmpf olt, %floor3A_275, %lt3A_314 : vector<1x32xf32>
    %and3A_316 = arith.andi %ge3A_312, %lt3A_315 : vector<1x32xi1>
    %ge3A_317 = arith.constant 0.000000e+00 : f32
    %ge3A_318 = vector.broadcast %ge3A_317 : f32 to vector<1x32xf32>
    %ge3A_319 = arith.cmpf oge, %floor3A_301, %ge3A_318 : vector<1x32xf32>
    %and3A_320 = arith.andi %and3A_316, %ge3A_319 : vector<1x32xi1>
    %lt3A_321 = arith.constant 3.200000e+01 : f32
    %lt3A_322 = vector.broadcast %lt3A_321 : f32 to vector<1x32xf32>
    %lt3A_323 = arith.cmpf olt, %floor3A_301, %lt3A_322 : vector<1x32xf32>
    %and3A_324 = arith.andi %and3A_320, %lt3A_323 : vector<1x32xi1>
    %jit3A_325 = arith.constant 0 : i32
    %jit3A_326 = arith.constant 31 : i32
    %convert_element_type3A_327 = arith.sitofp %jit3A_325 : i32 to f32
    %max3A_328 = vector.broadcast %convert_element_type3A_327 : f32 to vector<1x32xf32>
    %max3A_329 = arith.maximumf %max3A_328, %floor3A_275 : vector<1x32xf32>
    %convert_element_type3A_330 = arith.sitofp %jit3A_326 : i32 to f32
    %min3A_331 = vector.broadcast %convert_element_type3A_330 : f32 to vector<1x32xf32>
    %min3A_332 = arith.minimumf %min3A_331, %max3A_329 : vector<1x32xf32>
    %convert_element_type3A_333 = arith.fptosi %min3A_332 : vector<1x32xf32> to vector<1x32xi32>
    %jit3A_334 = arith.constant 0 : i32
    %jit3A_335 = arith.constant 31 : i32
    %convert_element_type3A_336 = arith.sitofp %jit3A_334 : i32 to f32
    %max3A_337 = vector.broadcast %convert_element_type3A_336 : f32 to vector<1x32xf32>
    %max3A_338 = arith.maximumf %max3A_337, %floor3A_301 : vector<1x32xf32>
    %convert_element_type3A_339 = arith.sitofp %jit3A_335 : i32 to f32
    %min3A_340 = vector.broadcast %convert_element_type3A_339 : f32 to vector<1x32xf32>
    %min3A_341 = arith.minimumf %min3A_340, %max3A_338 : vector<1x32xf32>
    %convert_element_type3A_342 = arith.fptosi %min3A_341 : vector<1x32xf32> to vector<1x32xi32>
    %mul3A_343 = arith.constant 32 : i32
    %mul3A_344 = vector.broadcast %mul3A_343 : i32 to vector<1x32xi32>
    %mul3A_345 = arith.muli %convert_element_type3A_342, %mul3A_344 : vector<1x32xi32>
    %add3A_346 = arith.addi %mul3A_345, %convert_element_type3A_333 : vector<1x32xi32>
    %eq3A_347 = vector.broadcast %add3A_346 : vector<1x32xi32> to vector<1024x32xi32>
    %eq3A_348 = arith.cmpi eq, %iota3A_309, %eq3A_347 : vector<1024x32xi32>
    %and3A_349 = vector.broadcast %and3A_324 : vector<1x32xi1> to vector<1024x32xi1>
    %and3A_350 = arith.andi %eq3A_348, %and3A_349 : vector<1024x32xi1>
    %convert_element_type3A_351 = arith.extui %and3A_350 : vector<1024x32xi1> to vector<1024x32xi32>
    %convert_element_type3A_352 = arith.sitofp %convert_element_type3A_351 : vector<1024x32xi32> to vector<1024x32xf32>
    %dot_general3A_353 = arith.constant dense<0.000000e+00> : vector<2x32xf32>
    %dot_general3A_354 = tpu.matmul %add3A_237, %convert_element_type3A_352, %dot_general3A_353 {dimension_numbers = #tpu.dot_dimension_numbers<[1], [0], [0], [1], [0, 0, 1, 1], [], []>, transpose_lhs_hint = false} : vector<2x1024xf32>, vector<1024x32xf32>, vector<2x32xf32> -> vector<2x32xf32>
    %mul3A_355 = arith.mulf %sub3A_282, %sub3A_308 : vector<1x32xf32>
    %mul3A_356 = vector.broadcast %mul3A_355 : vector<1x32xf32> to vector<2x32xf32>
    %mul3A_357 = arith.mulf %dot_general3A_354, %mul3A_356 : vector<2x32xf32>
    %ge3A_358 = arith.constant 0.000000e+00 : f32
    %ge3A_359 = vector.broadcast %ge3A_358 : f32 to vector<1x32xf32>
    %ge3A_360 = arith.cmpf oge, %add3A_278, %ge3A_359 : vector<1x32xf32>
    %lt3A_361 = arith.constant 3.200000e+01 : f32
    %lt3A_362 = vector.broadcast %lt3A_361 : f32 to vector<1x32xf32>
    %lt3A_363 = arith.cmpf olt, %add3A_278, %lt3A_362 : vector<1x32xf32>
    %and3A_364 = arith.andi %ge3A_360, %lt3A_363 : vector<1x32xi1>
    %ge3A_365 = arith.constant 0.000000e+00 : f32
    %ge3A_366 = vector.broadcast %ge3A_365 : f32 to vector<1x32xf32>
    %ge3A_367 = arith.cmpf oge, %floor3A_301, %ge3A_366 : vector<1x32xf32>
    %and3A_368 = arith.andi %and3A_364, %ge3A_367 : vector<1x32xi1>
    %lt3A_369 = arith.constant 3.200000e+01 : f32
    %lt3A_370 = vector.broadcast %lt3A_369 : f32 to vector<1x32xf32>
    %lt3A_371 = arith.cmpf olt, %floor3A_301, %lt3A_370 : vector<1x32xf32>
    %and3A_372 = arith.andi %and3A_368, %lt3A_371 : vector<1x32xi1>
    %jit3A_373 = arith.constant 0 : i32
    %jit3A_374 = arith.constant 31 : i32
    %convert_element_type3A_375 = arith.sitofp %jit3A_373 : i32 to f32
    %max3A_376 = vector.broadcast %convert_element_type3A_375 : f32 to vector<1x32xf32>
    %max3A_377 = arith.maximumf %max3A_376, %add3A_278 : vector<1x32xf32>
    %convert_element_type3A_378 = arith.sitofp %jit3A_374 : i32 to f32
    %min3A_379 = vector.broadcast %convert_element_type3A_378 : f32 to vector<1x32xf32>
    %min3A_380 = arith.minimumf %min3A_379, %max3A_377 : vector<1x32xf32>
    %convert_element_type3A_381 = arith.fptosi %min3A_380 : vector<1x32xf32> to vector<1x32xi32>
    %jit3A_382 = arith.constant 0 : i32
    %jit3A_383 = arith.constant 31 : i32
    %convert_element_type3A_384 = arith.sitofp %jit3A_382 : i32 to f32
    %max3A_385 = vector.broadcast %convert_element_type3A_384 : f32 to vector<1x32xf32>
    %max3A_386 = arith.maximumf %max3A_385, %floor3A_301 : vector<1x32xf32>
    %convert_element_type3A_387 = arith.sitofp %jit3A_383 : i32 to f32
    %min3A_388 = vector.broadcast %convert_element_type3A_387 : f32 to vector<1x32xf32>
    %min3A_389 = arith.minimumf %min3A_388, %max3A_386 : vector<1x32xf32>
    %convert_element_type3A_390 = arith.fptosi %min3A_389 : vector<1x32xf32> to vector<1x32xi32>
    %mul3A_391 = arith.constant 32 : i32
    %mul3A_392 = vector.broadcast %mul3A_391 : i32 to vector<1x32xi32>
    %mul3A_393 = arith.muli %convert_element_type3A_390, %mul3A_392 : vector<1x32xi32>
    %add3A_394 = arith.addi %mul3A_393, %convert_element_type3A_381 : vector<1x32xi32>
    %eq3A_395 = vector.broadcast %add3A_394 : vector<1x32xi32> to vector<1024x32xi32>
    %eq3A_396 = arith.cmpi eq, %iota3A_309, %eq3A_395 : vector<1024x32xi32>
    %and3A_397 = vector.broadcast %and3A_372 : vector<1x32xi1> to vector<1024x32xi1>
    %and3A_398 = arith.andi %eq3A_396, %and3A_397 : vector<1024x32xi1>
    %convert_element_type3A_399 = arith.extui %and3A_398 : vector<1024x32xi1> to vector<1024x32xi32>
    %convert_element_type3A_400 = arith.sitofp %convert_element_type3A_399 : vector<1024x32xi32> to vector<1024x32xf32>
    %dot_general3A_401 = arith.constant dense<0.000000e+00> : vector<2x32xf32>
    %dot_general3A_402 = tpu.matmul %add3A_237, %convert_element_type3A_400, %dot_general3A_401 {dimension_numbers = #tpu.dot_dimension_numbers<[1], [0], [0], [1], [0, 0, 1, 1], [], []>, transpose_lhs_hint = false} : vector<2x1024xf32>, vector<1024x32xf32>, vector<2x32xf32> -> vector<2x32xf32>
    %mul3A_403 = arith.mulf %sub3A_279, %sub3A_308 : vector<1x32xf32>
    %mul3A_404 = vector.broadcast %mul3A_403 : vector<1x32xf32> to vector<2x32xf32>
    %mul3A_405 = arith.mulf %dot_general3A_402, %mul3A_404 : vector<2x32xf32>
    %add3A_406 = arith.addf %mul3A_357, %mul3A_405 : vector<2x32xf32>
    %ge3A_407 = arith.constant 0.000000e+00 : f32
    %ge3A_408 = vector.broadcast %ge3A_407 : f32 to vector<1x32xf32>
    %ge3A_409 = arith.cmpf oge, %floor3A_275, %ge3A_408 : vector<1x32xf32>
    %lt3A_410 = arith.constant 3.200000e+01 : f32
    %lt3A_411 = vector.broadcast %lt3A_410 : f32 to vector<1x32xf32>
    %lt3A_412 = arith.cmpf olt, %floor3A_275, %lt3A_411 : vector<1x32xf32>
    %and3A_413 = arith.andi %ge3A_409, %lt3A_412 : vector<1x32xi1>
    %ge3A_414 = arith.constant 0.000000e+00 : f32
    %ge3A_415 = vector.broadcast %ge3A_414 : f32 to vector<1x32xf32>
    %ge3A_416 = arith.cmpf oge, %add3A_304, %ge3A_415 : vector<1x32xf32>
    %and3A_417 = arith.andi %and3A_413, %ge3A_416 : vector<1x32xi1>
    %lt3A_418 = arith.constant 3.200000e+01 : f32
    %lt3A_419 = vector.broadcast %lt3A_418 : f32 to vector<1x32xf32>
    %lt3A_420 = arith.cmpf olt, %add3A_304, %lt3A_419 : vector<1x32xf32>
    %and3A_421 = arith.andi %and3A_417, %lt3A_420 : vector<1x32xi1>
    %jit3A_422 = arith.constant 0 : i32
    %jit3A_423 = arith.constant 31 : i32
    %convert_element_type3A_424 = arith.sitofp %jit3A_422 : i32 to f32
    %max3A_425 = vector.broadcast %convert_element_type3A_424 : f32 to vector<1x32xf32>
    %max3A_426 = arith.maximumf %max3A_425, %floor3A_275 : vector<1x32xf32>
    %convert_element_type3A_427 = arith.sitofp %jit3A_423 : i32 to f32
    %min3A_428 = vector.broadcast %convert_element_type3A_427 : f32 to vector<1x32xf32>
    %min3A_429 = arith.minimumf %min3A_428, %max3A_426 : vector<1x32xf32>
    %convert_element_type3A_430 = arith.fptosi %min3A_429 : vector<1x32xf32> to vector<1x32xi32>
    %jit3A_431 = arith.constant 0 : i32
    %jit3A_432 = arith.constant 31 : i32
    %convert_element_type3A_433 = arith.sitofp %jit3A_431 : i32 to f32
    %max3A_434 = vector.broadcast %convert_element_type3A_433 : f32 to vector<1x32xf32>
    %max3A_435 = arith.maximumf %max3A_434, %add3A_304 : vector<1x32xf32>
    %convert_element_type3A_436 = arith.sitofp %jit3A_432 : i32 to f32
    %min3A_437 = vector.broadcast %convert_element_type3A_436 : f32 to vector<1x32xf32>
    %min3A_438 = arith.minimumf %min3A_437, %max3A_435 : vector<1x32xf32>
    %convert_element_type3A_439 = arith.fptosi %min3A_438 : vector<1x32xf32> to vector<1x32xi32>
    %mul3A_440 = arith.constant 32 : i32
    %mul3A_441 = vector.broadcast %mul3A_440 : i32 to vector<1x32xi32>
    %mul3A_442 = arith.muli %convert_element_type3A_439, %mul3A_441 : vector<1x32xi32>
    %add3A_443 = arith.addi %mul3A_442, %convert_element_type3A_430 : vector<1x32xi32>
    %eq3A_444 = vector.broadcast %add3A_443 : vector<1x32xi32> to vector<1024x32xi32>
    %eq3A_445 = arith.cmpi eq, %iota3A_309, %eq3A_444 : vector<1024x32xi32>
    %and3A_446 = vector.broadcast %and3A_421 : vector<1x32xi1> to vector<1024x32xi1>
    %and3A_447 = arith.andi %eq3A_445, %and3A_446 : vector<1024x32xi1>
    %convert_element_type3A_448 = arith.extui %and3A_447 : vector<1024x32xi1> to vector<1024x32xi32>
    %convert_element_type3A_449 = arith.sitofp %convert_element_type3A_448 : vector<1024x32xi32> to vector<1024x32xf32>
    %dot_general3A_450 = arith.constant dense<0.000000e+00> : vector<2x32xf32>
    %dot_general3A_451 = tpu.matmul %add3A_237, %convert_element_type3A_449, %dot_general3A_450 {dimension_numbers = #tpu.dot_dimension_numbers<[1], [0], [0], [1], [0, 0, 1, 1], [], []>, transpose_lhs_hint = false} : vector<2x1024xf32>, vector<1024x32xf32>, vector<2x32xf32> -> vector<2x32xf32>
    %mul3A_452 = arith.mulf %sub3A_282, %sub3A_305 : vector<1x32xf32>
    %mul3A_453 = vector.broadcast %mul3A_452 : vector<1x32xf32> to vector<2x32xf32>
    %mul3A_454 = arith.mulf %dot_general3A_451, %mul3A_453 : vector<2x32xf32>
    %add3A_455 = arith.addf %add3A_406, %mul3A_454 : vector<2x32xf32>
    %ge3A_456 = arith.constant 0.000000e+00 : f32
    %ge3A_457 = vector.broadcast %ge3A_456 : f32 to vector<1x32xf32>
    %ge3A_458 = arith.cmpf oge, %add3A_278, %ge3A_457 : vector<1x32xf32>
    %lt3A_459 = arith.constant 3.200000e+01 : f32
    %lt3A_460 = vector.broadcast %lt3A_459 : f32 to vector<1x32xf32>
    %lt3A_461 = arith.cmpf olt, %add3A_278, %lt3A_460 : vector<1x32xf32>
    %and3A_462 = arith.andi %ge3A_458, %lt3A_461 : vector<1x32xi1>
    %ge3A_463 = arith.constant 0.000000e+00 : f32
    %ge3A_464 = vector.broadcast %ge3A_463 : f32 to vector<1x32xf32>
    %ge3A_465 = arith.cmpf oge, %add3A_304, %ge3A_464 : vector<1x32xf32>
    %and3A_466 = arith.andi %and3A_462, %ge3A_465 : vector<1x32xi1>
    %lt3A_467 = arith.constant 3.200000e+01 : f32
    %lt3A_468 = vector.broadcast %lt3A_467 : f32 to vector<1x32xf32>
    %lt3A_469 = arith.cmpf olt, %add3A_304, %lt3A_468 : vector<1x32xf32>
    %and3A_470 = arith.andi %and3A_466, %lt3A_469 : vector<1x32xi1>
    %jit3A_471 = arith.constant 0 : i32
    %jit3A_472 = arith.constant 31 : i32
    %convert_element_type3A_473 = arith.sitofp %jit3A_471 : i32 to f32
    %max3A_474 = vector.broadcast %convert_element_type3A_473 : f32 to vector<1x32xf32>
    %max3A_475 = arith.maximumf %max3A_474, %add3A_278 : vector<1x32xf32>
    %convert_element_type3A_476 = arith.sitofp %jit3A_472 : i32 to f32
    %min3A_477 = vector.broadcast %convert_element_type3A_476 : f32 to vector<1x32xf32>
    %min3A_478 = arith.minimumf %min3A_477, %max3A_475 : vector<1x32xf32>
    %convert_element_type3A_479 = arith.fptosi %min3A_478 : vector<1x32xf32> to vector<1x32xi32>
    %jit3A_480 = arith.constant 0 : i32
    %jit3A_481 = arith.constant 31 : i32
    %convert_element_type3A_482 = arith.sitofp %jit3A_480 : i32 to f32
    %max3A_483 = vector.broadcast %convert_element_type3A_482 : f32 to vector<1x32xf32>
    %max3A_484 = arith.maximumf %max3A_483, %add3A_304 : vector<1x32xf32>
    %convert_element_type3A_485 = arith.sitofp %jit3A_481 : i32 to f32
    %min3A_486 = vector.broadcast %convert_element_type3A_485 : f32 to vector<1x32xf32>
    %min3A_487 = arith.minimumf %min3A_486, %max3A_484 : vector<1x32xf32>
    %convert_element_type3A_488 = arith.fptosi %min3A_487 : vector<1x32xf32> to vector<1x32xi32>
    %mul3A_489 = arith.constant 32 : i32
    %mul3A_490 = vector.broadcast %mul3A_489 : i32 to vector<1x32xi32>
    %mul3A_491 = arith.muli %convert_element_type3A_488, %mul3A_490 : vector<1x32xi32>
    %add3A_492 = arith.addi %mul3A_491, %convert_element_type3A_479 : vector<1x32xi32>
    %eq3A_493 = vector.broadcast %add3A_492 : vector<1x32xi32> to vector<1024x32xi32>
    %eq3A_494 = arith.cmpi eq, %iota3A_309, %eq3A_493 : vector<1024x32xi32>
    %and3A_495 = vector.broadcast %and3A_470 : vector<1x32xi1> to vector<1024x32xi1>
    %and3A_496 = arith.andi %eq3A_494, %and3A_495 : vector<1024x32xi1>
    %convert_element_type3A_497 = arith.extui %and3A_496 : vector<1024x32xi1> to vector<1024x32xi32>
    %convert_element_type3A_498 = arith.sitofp %convert_element_type3A_497 : vector<1024x32xi32> to vector<1024x32xf32>
    %dot_general3A_499 = arith.constant dense<0.000000e+00> : vector<2x32xf32>
    %dot_general3A_500 = tpu.matmul %add3A_237, %convert_element_type3A_498, %dot_general3A_499 {dimension_numbers = #tpu.dot_dimension_numbers<[1], [0], [0], [1], [0, 0, 1, 1], [], []>, transpose_lhs_hint = false} : vector<2x1024xf32>, vector<1024x32xf32>, vector<2x32xf32> -> vector<2x32xf32>
    %mul3A_501 = arith.mulf %sub3A_279, %sub3A_305 : vector<1x32xf32>
    %mul3A_502 = vector.broadcast %mul3A_501 : vector<1x32xf32> to vector<2x32xf32>
    %mul3A_503 = arith.mulf %dot_general3A_500, %mul3A_502 : vector<2x32xf32>
    %add3A_504 = arith.addf %add3A_455, %mul3A_503 : vector<2x32xf32>
    %add3A_505 = arith.addf %add3A_504, %dot_general3A_226 : vector<2x32xf32>
    %get3A_506 = arith.constant 0 : index
    %get3A_507 = arith.constant 0 : index
    %get3A_508 = vector.load %arg6[%get3A_506, %get3A_507] : memref<2x1xf32, #tpu.memory_space<vmem>>, vector<2x1xf32>
    %add3A_509 = vector.broadcast %get3A_508 : vector<2x1xf32> to vector<2x32xf32>
    %add3A_510 = arith.addf %add3A_505, %add3A_509 : vector<2x32xf32>
    %swap3A = arith.constant 0 : index
    %swap3A_511 = arith.constant 0 : index
    %swap3A_512 = arith.constant 0 : index
    %swap3A_513 = vector.load %arg7[%swap3A, %swap3A_511, %swap3A_512] : memref<1x2x32xf32, #tpu.memory_space<vmem>>, vector<1x2x32xf32>
    %swap3A_514 = vector.shape_cast %swap3A_513 : vector<1x2x32xf32> to vector<2x32xf32>
    %swap3A_515 = vector.shape_cast %add3A_510 : vector<2x32xf32> to vector<1x2x32xf32>
    tpu.vector_store %arg7[%swap3A, %swap3A_511, %swap3A_512], %swap3A_515 {strides = array<i32>} : memref<1x2x32xf32, #tpu.memory_space<vmem>>, vector<1x2x32xf32>,
    return
  }
  func.func @transform_0(%arg0: i32) -> (i32, i32, i32) {
    %c0_i32 = arith.constant 0 : i32
    %c0_i32_0 = arith.constant 0 : i32
    %c0_i32_1 = arith.constant 0 : i32
    return %arg0, %c0_i32, %c0_i32_0 : i32, i32, i32
  }
  func.func @transform_1(%arg0: i32) -> (i32, i32, i32) {
    %c0_i32 = arith.constant 0 : i32
    %c0_i32_0 = arith.constant 0 : i32
    %c0_i32_1 = arith.constant 0 : i32
    return %arg0, %c0_i32, %c0_i32_0 : i32, i32, i32
  }
  func.func @transform_2(%arg0: i32) -> (i32, i32, i32) {
    %c0_i32 = arith.constant 0 : i32
    %c0_i32_0 = arith.constant 0 : i32
    %c0_i32_1 = arith.constant 0 : i32
    return %arg0, %c0_i32, %c0_i32_0 : i32, i32, i32
  }
  func.func @transform_3(%arg0: i32) -> (i32, i32) {
    %c0_i32 = arith.constant 0 : i32
    %c0_i32_0 = arith.constant 0 : i32
    %c0_i32_1 = arith.constant 0 : i32
    return %c0_i32, %c0_i32_0 : i32, i32
  }
  func.func @transform_4(%arg0: i32) -> (i32, i32) {
    %c0_i32 = arith.constant 0 : i32
    %c0_i32_0 = arith.constant 0 : i32
    %c0_i32_1 = arith.constant 0 : i32
    return %c0_i32, %c0_i32_0 : i32, i32
  }
  func.func @transform_5(%arg0: i32) -> (i32, i32) {
    %c0_i32 = arith.constant 0 : i32
    %c0_i32_0 = arith.constant 0 : i32
    %c0_i32_1 = arith.constant 0 : i32
    return %c0_i32, %c0_i32_0 : i32, i32
  }
  func.func @transform_6(%arg0: i32) -> (i32, i32, i32) {
    %c0_i32 = arith.constant 0 : i32
    %c0_i32_0 = arith.constant 0 : i32
    %c0_i32_1 = arith.constant 0 : i32
    return %arg0, %c0_i32, %c0_i32_0 : i32, i32, i32
  }
}

</mosaic_0001>

<sc_bundles>
// kernel: kernel.7.cloned.1.call-start
scs
__scs_entry_jumppad:
0x0: {  	(pc) =	sbr.rel $0x88, $3  }
0x1: {  	(tag) =	ssettag $0x0;
	lr =	simm.s32 $0x1  }
0x2: {  	[smem:$0x3F9D] =	sst lr;
	_ =	strace $0xD0000000  }
0x3: {  	_ = 	snop  }
0x4: {  	_ = 	snop  }
0x5: {  	_ = 	snop  }
0x6: {  	_ = 	snop  }
0x7: {  	_ = 	snop  }
__scs_overlays_trampoline_lowered:
0x8: {  	[smem:$0x3FAC] =	sst s0  }
0x9: {  	[smem:$0x3FAD] =	sst s1  }
0xa: {  	[smem:$0x3FAE] =	sst s2  }
0xb: {  	[smem:$0x3FAF] =	sst s3  }
0xc: {  	[smem:$0x3FB0] =	sst s4  }
0xd: {  	[smem:$0x3FB1] =	sst s5  }
0xe: {  	[smem:$0x3FB2] =	sst s6  }
0xf: {  	[smem:$0x3FB3] =	sst s7  }
0x10: {  	[smem:$0x3FB4] =	sst s8  }
0x11: {  	[smem:$0x3FB5] =	sst s9;
	s0 =	simm.s32 @!p0 $0x0  }
0x12: {  	s1 =	sld [smem:$0x3F9B];
	s0 =	simm.s32 @p0 $0x1  }
0x13: {  	[smem:$0x3FB6] =	sst s0;
	s0 =	simm.s32 @!p1 $0x0  }
0x14: {  	s2 =	sld [smem:$0x3F9A];
	s0 =	simm.s32 @p1 $0x1  }
0x15: {  	[smem:$0x3FB7] =	sst s0;
	s0 =	simm.s32 @!p2 $0x0  }
0x16: {  	s3 =	sld [smem:$0x3FDB];
	s0 =	simm.s32 @p2 $0x1  }
0x17: {  	s4 =	simm.s32 $0x1BF5;
	[smem:$0x3FB9] =	sst s0  }
0x18: {  	s0 =	sld [smem:$0x3F9C];
	_ =	swait.ge [sflag:s4], $0x0  }
0x19: {  	s7 =	sld [smem:$0x3F9D]  }
0x1a: {  	s8 =	sadd.s32 $0xFFFFE003, lr  }
0x1b: {  	s9 =	sadd.s32 $0xFFFFFEF7, lr;
	s5 =	simm.s32 $0xFFFFFFFF;
	p2 =	slt.u32 s8, $0xFFFFF086  }
0x1c: {  	p1 =	slt.u32 s9, $0xF7A;
	s5 =	simm.s32 @!p2 $0x0  }
0x1d: {  	s5 =	simm.s32 @p1 $0x1;
	p0 =	seq.s32 s7, s2  }
0x1e: {  	s7 =	smul.u32 @!p0 $0xF7A, s2;
	p2 =	seq.s32 @!p0 s5, $0x0  }
0x1f: {  	s9 =	smul.u32 $0xF7A, s1;
	s8 =	simm.s32 @!p0 $0x1BF5;
	p2 =	por !p2, p0  }
0x20: {  	[sflag:s8] =	ssyncset.s32 @!p0 $0xFFFFF086;
	s6 =	sadd.s32 @!p0 s3, s7;
	s7 =	simm.s32 @!p0 $0x108  }
0x21: {  	s3 =	sadd.s32 s3, s9;
	s6 =	sadd.s32 @!p0 $0x88, s6;
	s7 =	simm.s32 @p2 $0x1082  }
0x22: {  	[simem:s7], [sflag:s8] =	dma.local @!p0 [hbm:s6], $0xF7A  }
0x23: {  	s9 =	sor.u32 $0xD0000000, s2;
	s6 =	simm.s32 $0x108;
	_ =	swait.ge @!p0 [sflag:s8], $0x0  }
0x24: {  	s3 =	sadd.s32 $0x88, s3;
	s6 =	simm.s32 @!p1 $0x1082;
	[sflag:s4] =	ssyncset.s32 $0xFFFFF086  }
0x25: {  	[simem:s6], [sflag:s4] =	dma.local [hbm:s3], $0xF7A  }
0x26: {  	[smem:$0x3F9D] =	sst s1;
	(tag) =	ssettag s2;
	_ =	strace s9  }
0x27: {  	s1 =	sld [smem:$0x3FAD]  }
0x28: {  	s2 =	sld [smem:$0x3FAE]  }
0x29: {  	s4 =	sld [smem:$0x3FB0]  }
0x2a: {  	p0 =	seq.s32 s5, $0x0;
	s5 =	sld [smem:$0x3FB1]  }
0x2b: {  	s6 =	sld [smem:$0x3FB2]  }
0x2c: {  	s7 =	sld [smem:$0x3FB3]  }
0x2d: {  	s3 =	simm.s32 $0x108;
	s8 =	sld [smem:$0x3FB4]  }
0x2e: {  	s3 =	simm.s32 @!p0 $0x1082;
	s9 =	sld [smem:$0x3FB5]  }
0x2f: {  	lr =	sadd.s32 s0, s3;
	s0 =	sld [smem:$0x3FAC]  }
0x30: {  	s3 =	sld [smem:$0x3FAF]  }
0x31: {  	[smem:$0x3FB8] =	sst s10  }
0x32: {  	s10 =	sld [smem:$0x3FB6];
	_ =	sdelay $0x3  }
0x33: {  	p0 =	seq.s32 s10, $0x1;
	s10 =	sld [smem:$0x3FB8];
	_ =	sdelay $0x3  }
0x34: {  	[smem:$0x3FB8] =	sst s10  }
0x35: {  	s10 =	sld [smem:$0x3FB7];
	_ =	sdelay $0x3  }
0x36: {  	p1 =	seq.s32 s10, $0x1;
	s10 =	sld [smem:$0x3FB8];
	_ =	sdelay $0x3  }
0x37: {  	[smem:$0x3FB8] =	sst s10  }
0x38: {  	s10 =	sld [smem:$0x3FB9]  }
0x39: {  	_ = 	snop;
	(pc) =	sbr.ind lr, $3  }
0x3a: {  	_ = 	snop  }
0x3b: {  	_ = 	snop  }
0x3c: {  	p2 =	seq.s32 s10, $0x1;
	s10 =	sld [smem:$0x3FB8]  }
0x3d: {  	_ =	shalt  }
0x3e: {  	_ =	shalt  }
0x3f: {  	_ =	shalt  }
0x40: {  	_ =	shalt  }
0x41: {  	_ =	shalt  }
0x42: {  	_ =	shalt  }
0x43: {  	_ =	shalt  }
0x44: {  	_ =	shalt  }
0x45: {  	_ =	shalt  }
0x46: {  	_ =	shalt  }
0x47: {  	_ =	shalt  }
0x48: {  	_ =	shalt  }
0x49: {  	_ =	shalt  }
0x4a: {  	_ =	shalt  }
0x4b: {  	_ =	shalt  }
0x4c: {  	_ =	shalt  }
0x4d: {  	_ =	shalt  }
0x4e: {  	_ =	shalt  }
0x4f: {  	_ =	shalt  }
0x50: {  	_ =	shalt  }
0x51: {  	_ =	shalt  }
0x52: {  	_ =	shalt  }
0x53: {  	_ =	shalt  }
0x54: {  	_ =	shalt  }
0x55: {  	_ =	shalt  }
0x56: {  	_ =	shalt  }
0x57: {  	_ =	shalt  }
0x58: {  	_ =	shalt  }
0x59: {  	_ =	shalt  }
0x5a: {  	_ =	shalt  }
0x5b: {  	_ =	shalt  }
0x5c: {  	_ =	shalt  }
0x5d: {  	_ =	shalt  }
0x5e: {  	_ =	shalt  }
0x5f: {  	_ =	shalt  }
0x60: {  	_ =	shalt  }
0x61: {  	_ =	shalt  }
0x62: {  	_ =	shalt  }
0x63: {  	_ =	shalt  }
0x64: {  	_ =	shalt  }
0x65: {  	_ =	shalt  }
0x66: {  	_ =	shalt  }
0x67: {  	_ =	shalt  }
0x68: {  	_ =	shalt  }
0x69: {  	_ =	shalt  }
0x6a: {  	_ =	shalt  }
0x6b: {  	_ =	shalt  }
0x6c: {  	_ =	shalt  }
0x6d: {  	_ =	shalt  }
0x6e: {  	_ =	shalt  }
0x6f: {  	_ =	shalt  }
0x70: {  	_ =	shalt  }
0x71: {  	_ =	shalt  }
0x72: {  	_ =	shalt  }
0x73: {  	_ =	shalt  }
0x74: {  	_ =	shalt  }
0x75: {  	_ =	shalt  }
0x76: {  	_ =	shalt  }
0x77: {  	_ =	shalt  }
0x78: {  	_ =	shalt  }
0x79: {  	_ =	shalt  }
0x7a: {  	_ =	shalt  }
0x7b: {  	_ =	shalt  }
0x7c: {  	_ =	shalt  }
0x7d: {  	_ =	shalt  }
0x7e: {  	_ =	shalt  }
0x7f: {  	_ =	shalt  }
0x80: {  	_ =	shalt  }
0x81: {  	_ =	shalt  }
0x82: {  	_ =	shalt  }
0x83: {  	_ =	shalt  }
0x84: {  	_ =	shalt  }
0x85: {  	_ =	shalt  }
0x86: {  	_ =	shalt  }
0x87: {  	_ =	shalt  }
.Lfunc_end0:
.L_simem_size_0:
called_computation_lowered:
.L_overlay_start_0:
0x88: {  	s2 =	sld [smem:$0x3FD9]  }
0x89: {  	s3 =	sld [smem:$0x3FFE];
	_ =	sdelay $0x1  }
0x8a: {  	s1 =	srdreg.scid  }
0x8b: {  	s0 =	sand.u32 $0x1, s1  }
0x8c: {  	s17 =	sshll.u32 s0, $0xA;
	s2 =	sadd.s32 s3, s2  }
0x8d: {  	s2 =	sadd.s32 s2, s17  }
0x8e: {  	[smem:$0x3FC4] =	sst s2  }
0x8f: {  	_ = 	snop  }
0x90: {  	s2 =	sld [smem:$0x3FC9];
	(tm) =	ssettm $0x1  }
0x91: {  	s18 =	sld [smem:$0x3FFB];
	_ =	sdelay $0x3  }
0x92: {  	_ =	strace s18  }
0x93: {  	s3 =	sld [smem:$0x3FFC];
	_ =	sdelay $0x3  }
0x94: {  	_ =	strace s3  }
0x95: {  	s3 =	sld [smem:$0x3FFD];
	_ =	sdelay $0x3  }
0x96: {  	_ =	strace s3  }
0x97: {  	_ =	strace $0x8FFFFFFF  }
0x98: {  	s19 =	sld [smem:$0x3FDB];
	_ =	sdelay $0x1  }
0x99: {  	s4 =	simm.s32 $_scs_section_size  }
0x9a: {  	s5 =	simm.s32 $_size__tile_overlayer_lowered;
	s6 =	simm.s32 $_tile_overlayer_lowered  }
0x9b: {  	s22 =	simm.s32 $0x1BFF;
	s21 =	sshll.u32 s6, $0x1;
	s3 =	sadd.s32 s4, s19  }
0x9c: {  	s7 =	simm.s32 $0x0;
	s20 =	sshll.u32 s5, $0x1;
	s5 =	sadd.s32 s21, s3  }
0x9d: {  	[timem:s7], [sflag:s22] =	dma.local [hbm:s5], s20  }
0x9e: {  	_ =	swait.ge [sflag:s22], s20  }
0x9f: {  	s4 =	ssub.s32 $0x0, s20;
	[sflag:s22] =	ssyncset.done $0x0  }
0xa0: {  	[sflag:s22] =	ssyncadd.s32 s4;
	_ =	sdelay $0x1  }
0xa1: {  	s23 =	simm.s32 $0x1B8B  }
0xa2: {  	_ =	swait.ge [sflag:s23], $0x1  }
0xa3: {  	[sflag:s23] =	ssyncset.done $0x0  }
0xa4: {  	s25 =	simm.s32 $0x1B8E;
	s24 =	sld [smem:$0x3FFE];
	[sflag:s23] =	ssyncadd.s32 $0xFFFFFFFF  }
0xa5: {  	s26 =	simm.s32 $execute0_lowered;
	[smem:$0x3FD2] =	sst s25  }
0xa6: {  	s5 =	sshll.u32 s26, $0x1;
	_ =	strace $0x80000046;
	[dreg:$0x1] =	wrdreg $0xFFFFFFFF  }
0xa7: {  	s28 =	simm.s32 $_size_execute0_lowered;
	s3 =	sadd.s32 s3, s5;
	[dreg:$0x0] =	wrdreg $0x0  }
0xa8: {  	s5 =	sshll.u32 s28, $0x1;
	[dreg:$0x2] =	wrdreg s3  }
0xa9: {  	[dreg:$0x3] =	wrdreg s5  }
0xaa: {  	[dreg:$0x4] =	wrdreg $0xC0  }
0xab: {  	_ =	task [dreg:s7], $0x5FFFF  }
0xac: {  	[dreg:$0x1] =	wrdreg $0xFFFFFFFF  }
0xad: {  	[dreg:$0x0] =	wrdreg $0x60  }
0xae: {  	[dreg:$0x2] =	wrdreg s2  }
0xaf: {  	[dreg:$0x3] =	wrdreg s24  }
0xb0: {  	[dreg:$0x4] =	wrdreg $0x9  }
0xb1: {  	_ =	task.clear_ibuf [dreg:s7], $0x5FFFF;
	_ =	strace $0x90000046  }
0xb2: {  	s29 =	simm.s32 $0x9;
	_ =	strace $0x80000048  }
0xb3: {  	_ =	swait.ge [sflag:s29], $0x1  }
0xb4: {  	[sflag:s29] =	ssyncadd.s32 $0xFFFFFFFF  }
0xb5: {  	_ =	strace $0x90000048  }
0xb6: {  	_ =	sfence  }
0xb7: {  	s30 =	sld [smem:$0x0];
	_ =	sdelay $0x2  }
0xb8: {  	s31 =	sshll.u32 s1, $0xD;
	s1 =	sshrl.u32 s1, $0x2  }
0xb9: {  	s3 =	sand.u32 $0x4000, s31;
	s1 =	sadd.s32 s1, s30  }
0xba: {  	s0 =	sor.u32 s3, s0;
	s1 =	sshll.u32 s1, $0x11  }
0xbb: {  	s0 =	sor.u32 s1, s0  }
0xbc: {  	s0 =	sadd.s32 $0x8F2B, s0  }
0xbd: {  	[sflag:s0] =	ssyncadd.remote.s32 $0x1  }
0xbe: {  	_ =	sfence.sel $0xFFFF  }
0xbf: {  	[dreg:$0x0] =	wrdreg $0xFFFFFFFF;
	(pc) =	sbr.abs _section_cstart, $3  }
0xc0: {  	[dreg:$0x1] =	wrdreg $0xFFFFFFFF  }
0xc1: {  	_ =	task.clear_ibuf [dreg:s7], $0x2FFFF;
	_ =	strace $0x9FFFFFFF  }
0xc2: {  	(tm) =	ssettm $0x7FFFFFFF  }
0xc3: {  	_ =	shalt  }
tec
execute0_lowered:
.L_overlay_start_1:
0x0: {  	(tag) =	ssettag $0x1  }
0x1: {  	s1 =	srdreg.scid  }
0x2: {  	s2 =	rddreg [dreg:$0x0];
	s0 =	stileid.u32;
	s10 =	sand.u32 $0x1, s1  }
0x3: {  	s8 =	rddreg [dreg:$0x1];
	s4 =	sshll.u32 s0, $0xE;
	s5 =	sshll.u32 s10, $0xD  }
0x4: {  	s3 =	simm.s32 $0x0;
	s1 =	rddreg [dreg:$0x2];
	s9 =	sor.u32 s5, s4  }
0x5: {  	[smem:$0x7FF] =	sst s3;
	s11 =	sadd.s32 $0x1A00, s8;
	s4 =	sshrl.u32 s9, $0x3  }
0x6: {  	_ =	strace $0x80000047;
	s5 =	sadd.s32 s11, s4;
	s4 =	simm.s32 $0x2  }
0x7: {  	[tilespmem:s3], [sflag:$0x2] =	stream.linear.gather [hbm4b:s5+s3], $0x1000, $0x38;
	[tilespmem:$0x11000] =	vst v63  }
0x8: {  	_ =	swait.ge [sflag:s4], $0x1000  }
0x9: {  	[sflag:s4] =	ssyncset.done $0x0  }
0xa: {  	s6 =	simm.s32 $0x1000;
	s7 =	simm.s32 $0x1;
	[sflag:s4] =	ssyncadd.s32 $0xFFFFF000  }
0xb: {  	[tilespmem:s6], [sflag:$0x1] =	stream.indirect.gather [hbm4b:s2+s6], $0x10, s3, s6, $0xb8;
	[tilespmem:$0x11000] =	vst v63  }
0xc: {  	_ =	swait.ge [sflag:s7], $0x10000  }
0xd: {  	s12 =	sadd.s32 $0x9A00, s8;
	s29 =	sshll.u32 s9, $0x1;
	[sflag:s7] =	ssyncset.done $0x0  }
0xe: {  	s8 =	sadd.s32 s12, s29;
	[sflag:s7] =	ssyncadd.s32 $0xFFFF0000  }
0xf: {  	[hbm4b:s8+s3] =	stream.linear.scatter [tilespmem:s6], [sflag:$0x2], $0x10000, $0x38;
	[tilespmem:$0x11000] =	vst v63  }
0x10: {  	s13 =	sor.u32 $0x1000, s9;
	_ =	swait.ge [sflag:s4], $0x10000  }
0x11: {  	s9 =	sshrl.u32 s13, $0x3;
	[sflag:s4] =	ssyncset.done $0x0  }
0x12: {  	s10 =	ssub.s32 $0x2, s10;
	s9 =	sadd.s32 s11, s9;
	[sflag:s4] =	ssyncadd.s32 $0xFFFF0000  }
0x13: {  	[tilespmem:s3], [sflag:$0x2] =	stream.linear.gather [hbm4b:s9+s3], $0x1000, $0x38;
	[tilespmem:$0x11000] =	vst v63  }
0x14: {  	s30 =	sshrl.u32 s10, $0x1;
	_ =	swait.ge [sflag:s4], $0x1000  }
0x15: {  	s11 =	ssub.s32 s10, s30;
	[sflag:s4] =	ssyncset.done $0x0  }
0x16: {  	s11 =	smax.u32 s11, $0x1;
	[sflag:s4] =	ssyncadd.s32 $0xFFFFF000  }
0x17: {  	[tilespmem:s6], [sflag:$0x1] =	stream.indirect.gather [hbm4b:s2+s6], $0x10, s3, s6, $0xb8;
	[tilespmem:$0x11000] =	vst v63  }
0x18: {  	p0 =	sne.s32 s11, $0x1;
	_ =	swait.ge [sflag:s7], $0x10000  }
.Ltmp0:
0x19: {  	s31 =	sshll.u32 s13, $0x1;
	[sflag:s7] =	ssyncset.done $0x0;
	(pc) =	sbr.rel @!p0 .LBB2_2-.Ltmp0, $4  }
0x1a: {  	s10 =	sadd.s32 s12, s31;
	[sflag:s7] =	ssyncadd.s32 $0xFFFF0000  }
0x1b: {  	[hbm4b:s10+s3] =	stream.linear.scatter [tilespmem:s6], [sflag:$0x2], $0x10000, $0x38;
	[tilespmem:$0x11000] =	vst v63  }
0x1c: {  	_ =	swait.ge [sflag:s4], $0x10000  }
0x1d: {  	s11 =	sadd.s32 $0xFFFFFFFF, s11;
	[sflag:s4] =	ssyncset.done $0x0  }
.LBB2_1:
0x1e: {  	p0 =	sne.s32 s11, $0x1;
	s11 =	sadd.s32 $0xFFFFFFFF, s11;
	[sflag:s4] =	ssyncadd.s32 $0xFFFF0000  }
0x1f: {  	[tilespmem:s3], [sflag:$0x2] =	stream.linear.gather [hbm4b:s5+s3], $0x1000, $0x38;
	[tilespmem:$0x11000] =	vst v63  }
0x20: {  	_ =	swait.ge [sflag:s4], $0x1000  }
0x21: {  	[sflag:s4] =	ssyncset.done $0x0  }
0x22: {  	[sflag:s4] =	ssyncadd.s32 $0xFFFFF000  }
0x23: {  	[tilespmem:s6], [sflag:$0x1] =	stream.indirect.gather [hbm4b:s2+s6], $0x10, s3, s6, $0xb8;
	[tilespmem:$0x11000] =	vst v63  }
0x24: {  	_ =	swait.ge [sflag:s7], $0x10000  }
0x25: {  	[sflag:s7] =	ssyncset.done $0x0  }
0x26: {  	[sflag:s7] =	ssyncadd.s32 $0xFFFF0000  }
0x27: {  	[hbm4b:s8+s3] =	stream.linear.scatter [tilespmem:s6], [sflag:$0x2], $0x10000, $0x38;
	[tilespmem:$0x11000] =	vst v63  }
0x28: {  	_ =	swait.ge [sflag:s4], $0x10000  }
0x29: {  	[sflag:s4] =	ssyncset.done $0x0  }
0x2a: {  	[sflag:s4] =	ssyncadd.s32 $0xFFFF0000  }
0x2b: {  	[tilespmem:s3], [sflag:$0x2] =	stream.linear.gather [hbm4b:s9+s3], $0x1000, $0x38;
	[tilespmem:$0x11000] =	vst v63  }
0x2c: {  	_ =	swait.ge [sflag:s4], $0x1000  }
0x2d: {  	[sflag:s4] =	ssyncset.done $0x0  }
0x2e: {  	[sflag:s4] =	ssyncadd.s32 $0xFFFFF000  }
0x2f: {  	[tilespmem:s6], [sflag:$0x1] =	stream.indirect.gather [hbm4b:s2+s6], $0x10, s3, s6, $0xb8;
	[tilespmem:$0x11000] =	vst v63  }
0x30: {  	_ =	swait.ge [sflag:s7], $0x10000  }
.Ltmp1:
0x31: {  	[sflag:s7] =	ssyncset.done $0x0;
	(pc) =	sbr.rel @p0 .LBB2_1-.Ltmp1, $4  }
0x32: {  	[sflag:s7] =	ssyncadd.s32 $0xFFFF0000  }
0x33: {  	[hbm4b:s10+s3] =	stream.linear.scatter [tilespmem:s6], [sflag:$0x2], $0x10000, $0x38;
	[tilespmem:$0x11000] =	vst v63  }
0x34: {  	_ =	swait.ge [sflag:s4], $0x10000  }
0x35: {  	[sflag:s4] =	ssyncset.done $0x0  }
.LBB2_2:
0x36: {  	[sflag:s4] =	ssyncadd.s32 $0xFFFF0000  }
0x37: {  	_ =	sfence.sel $0x180000  }
0x38: {  	[bflag:$0x0] =	sbarrier.arrive $0xFFFF  }
0x39: {  	p0 =	sne.s32 s0, $0x0;
	_ =	strace $0x90000047  }
0x3a: {  	s0 =	sadd.s32 @!p0 $0x100000, s1;
	[bflag:$0x2] =	sbarrier.arrive $0xFFFF  }
0x3b: {  	[sflag:s0] =	ssyncadd.tile.s32 @!p0 $0x1;
	_ =	shalt  }
.Lfunc_end2:
_tile_overlayer_lowered:
.L_overlay_start_2:
0x3c: {  	(tag) =	ssettag $0x2  }
0x3d: {  	s0 =	rddreg [dreg:$0x0];
	s2 =	stileid.u32  }
0x3e: {  	s1 =	rddreg [dreg:$0x1];
	p0 =	sne.s32 s2, $0x0  }
0x3f: {  	s3 =	rddreg [dreg:$0x2];
	[bflag:$0x3] =	sbarrier.arrive $0xFFFF;
	s2 =	simm.s32 @!p0 $0x1C02  }
0x40: {  	[timem:s3], [sflag:s2] =	dma.local @!p0 [hbm:s0], s1  }
0x41: {  	s0 =	simm.s32 @!p0 $0x2  }
0x42: {  	_ =	swait.ge @!p0 [sflag:s0], s1  }
0x43: {  	s1 =	ssub.s32 @!p0 $0x0, s1;
	[sflag:s0] =	ssyncset.done @!p0 $0x0  }
0x44: {  	[sflag:s0] =	ssyncadd.s32 @!p0 s1  }
0x45: {  	[bflag:$0x3] =	sbarrier.arrive $0xFFFF  }
0x46: {  	_ =	shalt  }

</sc_bundles>
